<compile_context>
chip_gen: v7x
topology: tpu7x:2x2x1
jax: 0.10.2.dev20260603
libtpu: 0.0.44.dev20260713+nightly
codegen_flags: <defaults>
</compile_context>

<pallas_src>
import functools

import jax
import jax.numpy as jnp
from jax import lax
from jax.experimental import pallas as pl
from jax.experimental.pallas import tpu as pltpu
from jax.experimental.pallas import tpu_sc as plsc

_H = 256
_WG = 192
_F = 64
_HW = _H * _WG
_N = 1048576
_NC = 2
_NS = 16
_NW = _NC * _NS
_PPW = _N // _NW
_CHUNK = 2048
_NCHUNK = _PPW // _CHUNK
_VPC = _CHUNK // 16
_UNROLL = 8


_HB = 32


def _proj_body(g_ref, w_ref, b_ref, p_ref):
    g = g_ref[...].reshape(_HB * _WG, _F)
    p_ref[...] = (
        jnp.dot(g, w_ref[...], preferred_element_type=jnp.float32)
        + b_ref[...]
    )


def _project(grid3d, w_pad, b_pad):
    return pl.pallas_call(
        _proj_body,
        grid=(_H // _HB,),
        in_specs=[
            pl.BlockSpec((_HB, _WG, _F), lambda i: (i, 0, 0)),
            pl.BlockSpec((_F, 8), lambda i: (0, 0)),
            pl.BlockSpec((1, 8), lambda i: (0, 0)),
        ],
        out_specs=pl.BlockSpec((_HB * _WG, 8), lambda i: (i, 0)),
        out_shape=jax.ShapeDtypeStruct((_HW, 8), jnp.float32),
    )(grid3d, w_pad, b_pad)


_NB = _N // 128


def _interp_body(x_hbm, pa_hbm, pb_hbm, out_hbm, pa_v, pb_v, xs_v, os_v):
    wid = lax.axis_index("s") * _NC + lax.axis_index("c")
    pltpu.sync_copy(pa_hbm, pa_v)
    pltpu.sync_copy(pb_hbm, pb_v)
    base = wid * _PPW
    lane = lax.iota(jnp.int32, 16)
    hmask = jnp.int32(-65536)

    def one_vec(v):
        ix = (v * 16 + lane) * 2
        xv = plsc.load_gather(xs_v, [ix])
        yv = plsc.load_gather(xs_v, [ix + 1])
        gx = xv * jnp.float32(_H - 1)
        gy = yv * jnp.float32(_WG - 1)
        x0 = jnp.minimum(gx.astype(jnp.int32), _H - 2)
        y0 = jnp.minimum(gy.astype(jnp.int32), _WG - 2)
        wx = gx - x0.astype(jnp.float32)
        wy = gy - y0.astype(jnp.float32)
        i00 = x0 * _WG + y0
        i01 = i00 + 1
        i10 = i00 + _WG
        i11 = i00 + _WG + 1
        a00 = plsc.load_gather(pa_v, [i00])
        a01 = plsc.load_gather(pa_v, [i01])
        a10 = plsc.load_gather(pa_v, [i10])
        a11 = plsc.load_gather(pa_v, [i11])
        b00 = plsc.load_gather(pb_v, [i00])
        b01 = plsc.load_gather(pb_v, [i01])
        b10 = plsc.load_gather(pb_v, [i10])
        b11 = plsc.load_gather(pb_v, [i11])
        u = 1.0 - wx
        t = 1.0 - wy
        w00 = u * t
        w10 = wx * t
        w01 = u * wy
        w11 = wx * wy
        o0 = (w00 * plsc.bitcast(a00 << 16, jnp.float32)
              + w10 * plsc.bitcast(a10 << 16, jnp.float32)
              + w01 * plsc.bitcast(a01 << 16, jnp.float32)
              + w11 * plsc.bitcast(a11 << 16, jnp.float32))
        o1 = (w00 * plsc.bitcast(a00 & hmask, jnp.float32)
              + w10 * plsc.bitcast(a10 & hmask, jnp.float32)
              + w01 * plsc.bitcast(a01 & hmask, jnp.float32)
              + w11 * plsc.bitcast(a11 & hmask, jnp.float32))
        o2 = w00 * b00 + w10 * b10 + w01 * b01 + w11 * b11
        si = (v * 16 + lane) * 3
        plsc.store_scatter(os_v, [si], o0)
        plsc.store_scatter(os_v, [si + 1], o1)
        plsc.store_scatter(os_v, [si + 2], o2)

    def vec_body(g, _):
        for k in range(_UNROLL):
            one_vec(g * _UNROLL + k)
        return 0

    def chunk_body(j, _):
        cbase = base + j * _CHUNK
        pltpu.sync_copy(x_hbm.at[pl.ds(cbase * 2, _CHUNK * 2)], xs_v)
        lax.fori_loop(0, _VPC // _UNROLL, vec_body, 0)
        pltpu.sync_copy(os_v, out_hbm.at[pl.ds(cbase * 3, _CHUNK * 3)])
        return 0

    lax.fori_loop(0, _NCHUNK, chunk_body, 0)


_interp = functools.partial(
    pl.kernel,
    out_type=jax.ShapeDtypeStruct((_N * 3,), jnp.float32),
    mesh=plsc.VectorSubcoreMesh(
        core_axis_name="c", subcore_axis_name="s",
        num_cores=_NC, num_subcores=_NS,
    ),
    scratch_types=[
        pltpu.VMEM((_HW,), jnp.int32),
        pltpu.VMEM((_HW,), jnp.float32),
        pltpu.VMEM((_CHUNK * 2,), jnp.float32),
        pltpu.VMEM((_CHUNK * 3,), jnp.float32),
    ],
    compiler_params=pltpu.CompilerParams(needs_layout_passes=False),
)(_interp_body)


def kernel(x, grid, W_mat, b):
    w_pad = jnp.zeros((_F, 8), jnp.float32).at[:, :3].set(W_mat)
    b_pad = jnp.zeros((1, 8), jnp.float32).at[0, :3].set(b)
    p = _project(grid, w_pad, b_pad)
    u0 = lax.bitcast_convert_type(
        p[:, 0].astype(jnp.bfloat16), jnp.uint16).astype(jnp.uint32)
    u1 = lax.bitcast_convert_type(
        p[:, 1].astype(jnp.bfloat16), jnp.uint16).astype(jnp.uint32)
    plane_a = lax.bitcast_convert_type((u1 << 16) | u0, jnp.int32)
    out_flat = _interp(x.reshape(_N * 2), plane_a, p[:, 2])
    return (jnp.asarray(out_flat).reshape(_N, 3), x)

# --- scband reference (transcript-rebuilt; emitter-appended) ---
"""Pipeline reference for scband-dictionary-field-23115513987442 (READ-ONLY COPY).

The authoritative reference and input builder live on the scoring server;
editing this copy changes nothing except your own understanding.
"""

import jax, jax.numpy as jnp
import numpy as np

H = 256
W_GRID = 192
F_DIM = 64
OUT_DIM = 3
N_PTS = 1048576


def setup_inputs(seed: int = 0) -> dict:
    key = jax.random.key(seed)
    k1, k2, k3 = jax.random.split(key, 3)
    # query coordinates, normalized to [0, 1]^2 (aabb [[0,0],[H,W]] normalized)
    x = jax.random.uniform(k1, (N_PTS, 2), dtype=jnp.float32)
    # learned dictionary feature grid (the 'coding' table of the Dif field)
    grid = jax.random.normal(k2, (H, W_GRID, F_DIM), dtype=jnp.float32) * 0.1
    # linear_mat parameters mapping interpolated features -> output
    W_mat = jax.random.normal(k3, (F_DIM, OUT_DIM), dtype=jnp.float32) * 0.05
    b = jnp.zeros((OUT_DIM,), dtype=jnp.float32)
    return {"x": x, "grid": grid, "W_mat": W_mat, "b": b}


def _get_coding(grid, x):
    # bilinear interpolation lookup into the dictionary feature grid
    gx = x[:, 0] * (H - 1)
    gy = x[:, 1] * (W_GRID - 1)
    x0 = jnp.clip(jnp.floor(gx).astype(jnp.int32), 0, H - 1)
    y0 = jnp.clip(jnp.floor(gy).astype(jnp.int32), 0, W_GRID - 1)
    x1 = jnp.clip(x0 + 1, 0, H - 1)
    y1 = jnp.clip(y0 + 1, 0, W_GRID - 1)
    wx = (gx - x0.astype(jnp.float32))[:, None]
    wy = (gy - y0.astype(jnp.float32))[:, None]
    f00 = grid[x0, y0]
    f01 = grid[x0, y1]
    f10 = grid[x1, y0]
    f11 = grid[x1, y1]
    feats = (f00 * (1.0 - wx) * (1.0 - wy)
             + f10 * wx * (1.0 - wy)
             + f01 * (1.0 - wx) * wy
             + f11 * wx * wy)
    return feats


def reference(x, grid, W_mat, b):
    feats = _get_coding(grid, x)
    output = feats @ W_mat + b
    return (output, x)

if __name__ == "__main__":
    import jax
    _d = setup_inputs()
    print(jax.jit(kernel)(*tuple(_d.values())))

</pallas_src>

<mosaic_0001>
#map = affine_map<(d0, d1) -> (0)>
module attributes {stable_mosaic.version = 14 : i64} {
  func.func @_interp_body(%arg0: i32, %arg1: i32, %arg2: memref<2097152xf32, #tpu.memory_space<hbm>>, %arg3: memref<49152xi32, #tpu.memory_space<hbm>>, %arg4: memref<49152xf32, #tpu.memory_space<hbm>>, %arg5: memref<3145728xf32, #tpu.memory_space<hbm>>, %arg6: memref<49152xi32, #tpu.memory_space<vmem>>, %arg7: memref<49152xf32, #tpu.memory_space<vmem>>, %arg8: memref<4096xf32, #tpu.memory_space<vmem>>, %arg9: memref<6144xf32, #tpu.memory_space<vmem>>) attributes {dimension_semantics = [#tpu.dimension_semantics<core_parallel>, #tpu.dimension_semantics<subcore_parallel>], iteration_bounds = array<i64: 2, 16>, scalar_prefetch = 0 : i64, scratch_operands = 4 : i64, tpu.core_type = #tpu.core_type<sc_vector_subcore>, window_params = [{transform_indices = #map}, {transform_indices = #map}, {transform_indices = #map}, {transform_indices = #map}]} {
    %mul3A = arith.constant 2 : i32
    %mul3A_0 = arith.muli %arg1, %mul3A : i32
    %add3A = arith.addi %mul3A_0, %arg0 : i32
    "tpu.region"() ({
      %run_scoped3A = tpu.sem_alloc : memref<!tpu.dma_semaphore, #tpu.memory_space<semaphore_mem>>
      tpu.enqueue_dma source(%arg3 : memref<49152xi32, #tpu.memory_space<hbm>>) target(%arg6 : memref<49152xi32, #tpu.memory_space<vmem>>) target_semaphore(%run_scoped3A : memref<!tpu.dma_semaphore, #tpu.memory_space<semaphore_mem>>)
      tpu.wait_dma2 semaphore(%run_scoped3A : memref<!tpu.dma_semaphore, #tpu.memory_space<semaphore_mem>>) src(%arg3 : memref<49152xi32, #tpu.memory_space<hbm>>) dst(%arg6 : memref<49152xi32, #tpu.memory_space<vmem>>)
      tpu.yield
    }) : () -> ()
    "tpu.region"() ({
      %run_scoped3A = tpu.sem_alloc : memref<!tpu.dma_semaphore, #tpu.memory_space<semaphore_mem>>
      tpu.enqueue_dma source(%arg4 : memref<49152xf32, #tpu.memory_space<hbm>>) target(%arg7 : memref<49152xf32, #tpu.memory_space<vmem>>) target_semaphore(%run_scoped3A : memref<!tpu.dma_semaphore, #tpu.memory_space<semaphore_mem>>)
      tpu.wait_dma2 semaphore(%run_scoped3A : memref<!tpu.dma_semaphore, #tpu.memory_space<semaphore_mem>>) src(%arg4 : memref<49152xf32, #tpu.memory_space<hbm>>) dst(%arg7 : memref<49152xf32, #tpu.memory_space<vmem>>)
      tpu.yield
    }) : () -> ()
    %mul3A_1 = arith.constant 32768 : i32
    %mul3A_2 = arith.muli %add3A, %mul3A_1 : i32
    %iota3A = tpu.iota {dimensions = array<i32: 0>} : vector<16xi32>
    %scan3A = arith.constant -65536 : i32
    %scan3A_3 = arith.constant 0 : i32
    %scan3A_4 = arith.constant 0 : i32
    %scan3A_5 = arith.constant 16 : i32
    %scan3A_6 = arith.addi %scan3A_4, %scan3A_5 : i32
    %scan3A_7 = arith.constant 1 : i32
    %scan3A_8 = scf.for %scan3A_10 = %scan3A_4 to %scan3A_6 step %scan3A_7 iter_args(%scan3A_11 = %scan3A_3) -> (i32)  : i32 {
      %mul3A_12 = arith.constant 2048 : i32
      %mul3A_13 = arith.muli %scan3A_10, %mul3A_12 : i32
      %add3A_14 = arith.addi %mul3A_2, %mul3A_13 : i32
      %mul3A_15 = arith.constant 2 : i32
      %mul3A_16 = arith.muli %add3A_14, %mul3A_15 : i32
      "tpu.region"() ({
        %run_scoped3A = tpu.sem_alloc : memref<!tpu.dma_semaphore, #tpu.memory_space<semaphore_mem>>
        %dma_start3A = tpu.memref_slice %arg2[%mul3A_16] : memref<2097152xf32, #tpu.memory_space<hbm>> -> memref<4096xf32, #tpu.memory_space<hbm>>
        %dma_start3A_27 = tpu.memref_slice %arg2[%mul3A_16] : memref<2097152xf32, #tpu.memory_space<hbm>> -> memref<4096xf32, #tpu.memory_space<hbm>>
        tpu.enqueue_dma source(%dma_start3A_27 : memref<4096xf32, #tpu.memory_space<hbm>>) target(%arg8 : memref<4096xf32, #tpu.memory_space<vmem>>) target_semaphore(%run_scoped3A : memref<!tpu.dma_semaphore, #tpu.memory_space<semaphore_mem>>)
        %dma_wait3A = tpu.memref_slice %arg2[%mul3A_16] : memref<2097152xf32, #tpu.memory_space<hbm>> -> memref<4096xf32, #tpu.memory_space<hbm>>
        %dma_wait3A_28 = tpu.memref_slice %arg2[%mul3A_16] : memref<2097152xf32, #tpu.memory_space<hbm>> -> memref<4096xf32, #tpu.memory_space<hbm>>
        tpu.wait_dma2 semaphore(%run_scoped3A : memref<!tpu.dma_semaphore, #tpu.memory_space<semaphore_mem>>) src(%dma_wait3A_28 : memref<4096xf32, #tpu.memory_space<hbm>>) dst(%arg8 : memref<4096xf32, #tpu.memory_space<vmem>>)
        tpu.yield
      }) : () -> ()
      %scan3A_17 = arith.constant 0 : i32
      %scan3A_18 = arith.constant 0 : i32
      %scan3A_19 = arith.constant 16 : i32
      %scan3A_20 = arith.addi %scan3A_18, %scan3A_19 : i32
      %scan3A_21 = arith.constant 1 : i32
      %scan3A_22 = scf.for %scan3A_27 = %scan3A_18 to %scan3A_20 step %scan3A_21 iter_args(%scan3A_28 = %scan3A_17) -> (i32)  : i32 {
        %mul3A_29 = arith.constant 8 : i32
        %mul3A_30 = arith.muli %scan3A_27, %mul3A_29 : i32
        %add3A_31 = arith.constant 0 : i32
        %add3A_32 = arith.addi %mul3A_30, %add3A_31 : i32
        %mul3A_33 = arith.constant 16 : i32
        %mul3A_34 = arith.muli %add3A_32, %mul3A_33 : i32
        %add3A_35 = vector.broadcast %mul3A_34 : i32 to vector<16xi32>
        %add3A_36 = arith.addi %add3A_35, %iota3A : vector<16xi32>
        %mul3A_37 = arith.constant 2 : i32
        %mul3A_38 = vector.broadcast %mul3A_37 : i32 to vector<16xi32>
        %mul3A_39 = arith.muli %add3A_36, %mul3A_38 : vector<16xi32>
        %gather3A = tpu.vector_load_idx %arg8[%mul3A_39] : memref<4096xf32, #tpu.memory_space<vmem>>[vector<16xi32>], vector<16xf32>,
        %add3A_40 = arith.constant 1 : i32
        %add3A_41 = vector.broadcast %add3A_40 : i32 to vector<16xi32>
        %add3A_42 = arith.addi %mul3A_39, %add3A_41 : vector<16xi32>
        %gather3A_43 = tpu.vector_load_idx %arg8[%add3A_42] : memref<4096xf32, #tpu.memory_space<vmem>>[vector<16xi32>], vector<16xf32>,
        %mul3A_44 = arith.constant 2.550000e+02 : f32
        %mul3A_45 = vector.broadcast %mul3A_44 : f32 to vector<16xf32>
        %mul3A_46 = arith.mulf %gather3A, %mul3A_45 : vector<16xf32>
        %mul3A_47 = arith.constant 1.910000e+02 : f32
        %mul3A_48 = vector.broadcast %mul3A_47 : f32 to vector<16xf32>
        %mul3A_49 = arith.mulf %gather3A_43, %mul3A_48 : vector<16xf32>
        %convert_element_type3A = arith.fptosi %mul3A_46 : vector<16xf32> to vector<16xi32>
        %min3A = arith.constant 254 : i32
        %min3A_50 = vector.broadcast %min3A : i32 to vector<16xi32>
        %min3A_51 = arith.minsi %convert_element_type3A, %min3A_50 : vector<16xi32>
        %convert_element_type3A_52 = arith.fptosi %mul3A_49 : vector<16xf32> to vector<16xi32>
        %min3A_53 = arith.constant 190 : i32
        %min3A_54 = vector.broadcast %min3A_53 : i32 to vector<16xi32>
        %min3A_55 = arith.minsi %convert_element_type3A_52, %min3A_54 : vector<16xi32>
        %convert_element_type3A_56 = arith.sitofp %min3A_51 : vector<16xi32> to vector<16xf32>
        %sub3A = arith.subf %mul3A_46, %convert_element_type3A_56 : vector<16xf32>
        %convert_element_type3A_57 = arith.sitofp %min3A_55 : vector<16xi32> to vector<16xf32>
        %sub3A_58 = arith.subf %mul3A_49, %convert_element_type3A_57 : vector<16xf32>
        %mul3A_59 = arith.constant 192 : i32
        %mul3A_60 = vector.broadcast %mul3A_59 : i32 to vector<16xi32>
        %mul3A_61 = arith.muli %min3A_51, %mul3A_60 : vector<16xi32>
        %add3A_62 = arith.addi %mul3A_61, %min3A_55 : vector<16xi32>
        %add3A_63 = arith.constant 1 : i32
        %add3A_64 = vector.broadcast %add3A_63 : i32 to vector<16xi32>
        %add3A_65 = arith.addi %add3A_62, %add3A_64 : vector<16xi32>
        %add3A_66 = arith.constant 192 : i32
        %add3A_67 = vector.broadcast %add3A_66 : i32 to vector<16xi32>
        %add3A_68 = arith.addi %add3A_62, %add3A_67 : vector<16xi32>
        %add3A_69 = arith.constant 192 : i32
        %add3A_70 = vector.broadcast %add3A_69 : i32 to vector<16xi32>
        %add3A_71 = arith.addi %add3A_62, %add3A_70 : vector<16xi32>
        %add3A_72 = arith.constant 1 : i32
        %add3A_73 = vector.broadcast %add3A_72 : i32 to vector<16xi32>
        %add3A_74 = arith.addi %add3A_71, %add3A_73 : vector<16xi32>
        %gather3A_75 = tpu.vector_load_idx %arg6[%add3A_62] : memref<49152xi32, #tpu.memory_space<vmem>>[vector<16xi32>], vector<16xi32>,
        %gather3A_76 = tpu.vector_load_idx %arg6[%add3A_65] : memref<49152xi32, #tpu.memory_space<vmem>>[vector<16xi32>], vector<16xi32>,
        %gather3A_77 = tpu.vector_load_idx %arg6[%add3A_68] : memref<49152xi32, #tpu.memory_space<vmem>>[vector<16xi32>], vector<16xi32>,
        %gather3A_78 = tpu.vector_load_idx %arg6[%add3A_74] : memref<49152xi32, #tpu.memory_space<vmem>>[vector<16xi32>], vector<16xi32>,
        %gather3A_79 = tpu.vector_load_idx %arg7[%add3A_62] : memref<49152xf32, #tpu.memory_space<vmem>>[vector<16xi32>], vector<16xf32>,
        %gather3A_80 = tpu.vector_load_idx %arg7[%add3A_65] : memref<49152xf32, #tpu.memory_space<vmem>>[vector<16xi32>], vector<16xf32>,
        %gather3A_81 = tpu.vector_load_idx %arg7[%add3A_68] : memref<49152xf32, #tpu.memory_space<vmem>>[vector<16xi32>], vector<16xf32>,
        %gather3A_82 = tpu.vector_load_idx %arg7[%add3A_74] : memref<49152xf32, #tpu.memory_space<vmem>>[vector<16xi32>], vector<16xf32>,
        %sub3A_83 = arith.constant 1.000000e+00 : f32
        %sub3A_84 = vector.broadcast %sub3A_83 : f32 to vector<16xf32>
        %sub3A_85 = arith.subf %sub3A_84, %sub3A : vector<16xf32>
        %sub3A_86 = arith.constant 1.000000e+00 : f32
        %sub3A_87 = vector.broadcast %sub3A_86 : f32 to vector<16xf32>
        %sub3A_88 = arith.subf %sub3A_87, %sub3A_58 : vector<16xf32>
        %mul3A_89 = arith.mulf %sub3A_85, %sub3A_88 : vector<16xf32>
        %mul3A_90 = arith.mulf %sub3A, %sub3A_88 : vector<16xf32>
        %mul3A_91 = arith.mulf %sub3A_85, %sub3A_58 : vector<16xf32>
        %mul3A_92 = arith.mulf %sub3A, %sub3A_58 : vector<16xf32>
        %shift_left3A = arith.constant 16 : i32
        %shift_left3A_93 = vector.broadcast %shift_left3A : i32 to vector<16xi32>
        %shift_left3A_94 = arith.shli %gather3A_75, %shift_left3A_93 : vector<16xi32>
        %bitcast3A = vector.bitcast %shift_left3A_94 : vector<16xi32> to vector<16xf32>
        %mul3A_95 = arith.mulf %mul3A_89, %bitcast3A : vector<16xf32>
        %shift_left3A_96 = arith.constant 16 : i32
        %shift_left3A_97 = vector.broadcast %shift_left3A_96 : i32 to vector<16xi32>
        %shift_left3A_98 = arith.shli %gather3A_77, %shift_left3A_97 : vector<16xi32>
        %bitcast3A_99 = vector.bitcast %shift_left3A_98 : vector<16xi32> to vector<16xf32>
        %mul3A_100 = arith.mulf %mul3A_90, %bitcast3A_99 : vector<16xf32>
        %add3A_101 = arith.addf %mul3A_95, %mul3A_100 : vector<16xf32>
        %shift_left3A_102 = arith.constant 16 : i32
        %shift_left3A_103 = vector.broadcast %shift_left3A_102 : i32 to vector<16xi32>
        %shift_left3A_104 = arith.shli %gather3A_76, %shift_left3A_103 : vector<16xi32>
        %bitcast3A_105 = vector.bitcast %shift_left3A_104 : vector<16xi32> to vector<16xf32>
        %mul3A_106 = arith.mulf %mul3A_91, %bitcast3A_105 : vector<16xf32>
        %add3A_107 = arith.addf %add3A_101, %mul3A_106 : vector<16xf32>
        %shift_left3A_108 = arith.constant 16 : i32
        %shift_left3A_109 = vector.broadcast %shift_left3A_108 : i32 to vector<16xi32>
        %shift_left3A_110 = arith.shli %gather3A_78, %shift_left3A_109 : vector<16xi32>
        %bitcast3A_111 = vector.bitcast %shift_left3A_110 : vector<16xi32> to vector<16xf32>
        %mul3A_112 = arith.mulf %mul3A_92, %bitcast3A_111 : vector<16xf32>
        %add3A_113 = arith.addf %add3A_107, %mul3A_112 : vector<16xf32>
        %and3A = vector.broadcast %scan3A : i32 to vector<16xi32>
        %and3A_114 = arith.andi %gather3A_75, %and3A : vector<16xi32>
        %bitcast3A_115 = vector.bitcast %and3A_114 : vector<16xi32> to vector<16xf32>
        %mul3A_116 = arith.mulf %mul3A_89, %bitcast3A_115 : vector<16xf32>
        %and3A_117 = vector.broadcast %scan3A : i32 to vector<16xi32>
        %and3A_118 = arith.andi %gather3A_77, %and3A_117 : vector<16xi32>
        %bitcast3A_119 = vector.bitcast %and3A_118 : vector<16xi32> to vector<16xf32>
        %mul3A_120 = arith.mulf %mul3A_90, %bitcast3A_119 : vector<16xf32>
        %add3A_121 = arith.addf %mul3A_116, %mul3A_120 : vector<16xf32>
        %and3A_122 = vector.broadcast %scan3A : i32 to vector<16xi32>
        %and3A_123 = arith.andi %gather3A_76, %and3A_122 : vector<16xi32>
        %bitcast3A_124 = vector.bitcast %and3A_123 : vector<16xi32> to vector<16xf32>
        %mul3A_125 = arith.mulf %mul3A_91, %bitcast3A_124 : vector<16xf32>
        %add3A_126 = arith.addf %add3A_121, %mul3A_125 : vector<16xf32>
        %and3A_127 = vector.broadcast %scan3A : i32 to vector<16xi32>
        %and3A_128 = arith.andi %gather3A_78, %and3A_127 : vector<16xi32>
        %bitcast3A_129 = vector.bitcast %and3A_128 : vector<16xi32> to vector<16xf32>
        %mul3A_130 = arith.mulf %mul3A_92, %bitcast3A_129 : vector<16xf32>
        %add3A_131 = arith.addf %add3A_126, %mul3A_130 : vector<16xf32>
        %mul3A_132 = arith.mulf %mul3A_89, %gather3A_79 : vector<16xf32>
        %mul3A_133 = arith.mulf %mul3A_90, %gather3A_81 : vector<16xf32>
        %add3A_134 = arith.addf %mul3A_132, %mul3A_133 : vector<16xf32>
        %mul3A_135 = arith.mulf %mul3A_91, %gather3A_80 : vector<16xf32>
        %add3A_136 = arith.addf %add3A_134, %mul3A_135 : vector<16xf32>
        %mul3A_137 = arith.mulf %mul3A_92, %gather3A_82 : vector<16xf32>
        %add3A_138 = arith.addf %add3A_136, %mul3A_137 : vector<16xf32>
        %mul3A_139 = arith.constant 16 : i32
        %mul3A_140 = arith.muli %add3A_32, %mul3A_139 : i32
        %add3A_141 = vector.broadcast %mul3A_140 : i32 to vector<16xi32>
        %add3A_142 = arith.addi %add3A_141, %iota3A : vector<16xi32>
        %mul3A_143 = arith.constant 3 : i32
        %mul3A_144 = vector.broadcast %mul3A_143 : i32 to vector<16xi32>
        %mul3A_145 = arith.muli %add3A_142, %mul3A_144 : vector<16xi32>
        tpu.vector_store_idx %arg9[%mul3A_145], %add3A_113 : memref<6144xf32, #tpu.memory_space<vmem>>[vector<16xi32>], vector<16xf32>,
        %add3A_146 = arith.constant 1 : i32
        %add3A_147 = vector.broadcast %add3A_146 : i32 to vector<16xi32>
        %add3A_148 = arith.addi %mul3A_145, %add3A_147 : vector<16xi32>
        tpu.vector_store_idx %arg9[%add3A_148], %add3A_131 : memref<6144xf32, #tpu.memory_space<vmem>>[vector<16xi32>], vector<16xf32>,
        %add3A_149 = arith.constant 2 : i32
        %add3A_150 = vector.broadcast %add3A_149 : i32 to vector<16xi32>
        %add3A_151 = arith.addi %mul3A_145, %add3A_150 : vector<16xi32>
        tpu.vector_store_idx %arg9[%add3A_151], %add3A_138 : memref<6144xf32, #tpu.memory_space<vmem>>[vector<16xi32>], vector<16xf32>,
        %mul3A_152 = arith.constant 8 : i32
        %mul3A_153 = arith.muli %scan3A_27, %mul3A_152 : i32
        %add3A_154 = arith.constant 1 : i32
        %add3A_155 = arith.addi %mul3A_153, %add3A_154 : i32
        %mul3A_156 = arith.constant 16 : i32
        %mul3A_157 = arith.muli %add3A_155, %mul3A_156 : i32
        %add3A_158 = vector.broadcast %mul3A_157 : i32 to vector<16xi32>
        %add3A_159 = arith.addi %add3A_158, %iota3A : vector<16xi32>
        %mul3A_160 = arith.constant 2 : i32
        %mul3A_161 = vector.broadcast %mul3A_160 : i32 to vector<16xi32>
        %mul3A_162 = arith.muli %add3A_159, %mul3A_161 : vector<16xi32>
        %gather3A_163 = tpu.vector_load_idx %arg8[%mul3A_162] : memref<4096xf32, #tpu.memory_space<vmem>>[vector<16xi32>], vector<16xf32>,
        %add3A_164 = arith.constant 1 : i32
        %add3A_165 = vector.broadcast %add3A_164 : i32 to vector<16xi32>
        %add3A_166 = arith.addi %mul3A_162, %add3A_165 : vector<16xi32>
        %gather3A_167 = tpu.vector_load_idx %arg8[%add3A_166] : memref<4096xf32, #tpu.memory_space<vmem>>[vector<16xi32>], vector<16xf32>,
        %mul3A_168 = arith.constant 2.550000e+02 : f32
        %mul3A_169 = vector.broadcast %mul3A_168 : f32 to vector<16xf32>
        %mul3A_170 = arith.mulf %gather3A_163, %mul3A_169 : vector<16xf32>
        %mul3A_171 = arith.constant 1.910000e+02 : f32
        %mul3A_172 = vector.broadcast %mul3A_171 : f32 to vector<16xf32>
        %mul3A_173 = arith.mulf %gather3A_167, %mul3A_172 : vector<16xf32>
        %convert_element_type3A_174 = arith.fptosi %mul3A_170 : vector<16xf32> to vector<16xi32>
        %min3A_175 = arith.constant 254 : i32
        %min3A_176 = vector.broadcast %min3A_175 : i32 to vector<16xi32>
        %min3A_177 = arith.minsi %convert_element_type3A_174, %min3A_176 : vector<16xi32>
        %convert_element_type3A_178 = arith.fptosi %mul3A_173 : vector<16xf32> to vector<16xi32>
        %min3A_179 = arith.constant 190 : i32
        %min3A_180 = vector.broadcast %min3A_179 : i32 to vector<16xi32>
        %min3A_181 = arith.minsi %convert_element_type3A_178, %min3A_180 : vector<16xi32>
        %convert_element_type3A_182 = arith.sitofp %min3A_177 : vector<16xi32> to vector<16xf32>
        %sub3A_183 = arith.subf %mul3A_170, %convert_element_type3A_182 : vector<16xf32>
        %convert_element_type3A_184 = arith.sitofp %min3A_181 : vector<16xi32> to vector<16xf32>
        %sub3A_185 = arith.subf %mul3A_173, %convert_element_type3A_184 : vector<16xf32>
        %mul3A_186 = arith.constant 192 : i32
        %mul3A_187 = vector.broadcast %mul3A_186 : i32 to vector<16xi32>
        %mul3A_188 = arith.muli %min3A_177, %mul3A_187 : vector<16xi32>
        %add3A_189 = arith.addi %mul3A_188, %min3A_181 : vector<16xi32>
        %add3A_190 = arith.constant 1 : i32
        %add3A_191 = vector.broadcast %add3A_190 : i32 to vector<16xi32>
        %add3A_192 = arith.addi %add3A_189, %add3A_191 : vector<16xi32>
        %add3A_193 = arith.constant 192 : i32
        %add3A_194 = vector.broadcast %add3A_193 : i32 to vector<16xi32>
        %add3A_195 = arith.addi %add3A_189, %add3A_194 : vector<16xi32>
        %add3A_196 = arith.constant 192 : i32
        %add3A_197 = vector.broadcast %add3A_196 : i32 to vector<16xi32>
        %add3A_198 = arith.addi %add3A_189, %add3A_197 : vector<16xi32>
        %add3A_199 = arith.constant 1 : i32
        %add3A_200 = vector.broadcast %add3A_199 : i32 to vector<16xi32>
        %add3A_201 = arith.addi %add3A_198, %add3A_200 : vector<16xi32>
        %gather3A_202 = tpu.vector_load_idx %arg6[%add3A_189] : memref<49152xi32, #tpu.memory_space<vmem>>[vector<16xi32>], vector<16xi32>,
        %gather3A_203 = tpu.vector_load_idx %arg6[%add3A_192] : memref<49152xi32, #tpu.memory_space<vmem>>[vector<16xi32>], vector<16xi32>,
        %gather3A_204 = tpu.vector_load_idx %arg6[%add3A_195] : memref<49152xi32, #tpu.memory_space<vmem>>[vector<16xi32>], vector<16xi32>,
        %gather3A_205 = tpu.vector_load_idx %arg6[%add3A_201] : memref<49152xi32, #tpu.memory_space<vmem>>[vector<16xi32>], vector<16xi32>,
        %gather3A_206 = tpu.vector_load_idx %arg7[%add3A_189] : memref<49152xf32, #tpu.memory_space<vmem>>[vector<16xi32>], vector<16xf32>,
        %gather3A_207 = tpu.vector_load_idx %arg7[%add3A_192] : memref<49152xf32, #tpu.memory_space<vmem>>[vector<16xi32>], vector<16xf32>,
        %gather3A_208 = tpu.vector_load_idx %arg7[%add3A_195] : memref<49152xf32, #tpu.memory_space<vmem>>[vector<16xi32>], vector<16xf32>,
        %gather3A_209 = tpu.vector_load_idx %arg7[%add3A_201] : memref<49152xf32, #tpu.memory_space<vmem>>[vector<16xi32>], vector<16xf32>,
        %sub3A_210 = arith.constant 1.000000e+00 : f32
        %sub3A_211 = vector.broadcast %sub3A_210 : f32 to vector<16xf32>
        %sub3A_212 = arith.subf %sub3A_211, %sub3A_183 : vector<16xf32>
        %sub3A_213 = arith.constant 1.000000e+00 : f32
        %sub3A_214 = vector.broadcast %sub3A_213 : f32 to vector<16xf32>
        %sub3A_215 = arith.subf %sub3A_214, %sub3A_185 : vector<16xf32>
        %mul3A_216 = arith.mulf %sub3A_212, %sub3A_215 : vector<16xf32>
        %mul3A_217 = arith.mulf %sub3A_183, %sub3A_215 : vector<16xf32>
        %mul3A_218 = arith.mulf %sub3A_212, %sub3A_185 : vector<16xf32>
        %mul3A_219 = arith.mulf %sub3A_183, %sub3A_185 : vector<16xf32>
        %shift_left3A_220 = arith.constant 16 : i32
        %shift_left3A_221 = vector.broadcast %shift_left3A_220 : i32 to vector<16xi32>
        %shift_left3A_222 = arith.shli %gather3A_202, %shift_left3A_221 : vector<16xi32>
        %bitcast3A_223 = vector.bitcast %shift_left3A_222 : vector<16xi32> to vector<16xf32>
        %mul3A_224 = arith.mulf %mul3A_216, %bitcast3A_223 : vector<16xf32>
        %shift_left3A_225 = arith.constant 16 : i32
        %shift_left3A_226 = vector.broadcast %shift_left3A_225 : i32 to vector<16xi32>
        %shift_left3A_227 = arith.shli %gather3A_204, %shift_left3A_226 : vector<16xi32>
        %bitcast3A_228 = vector.bitcast %shift_left3A_227 : vector<16xi32> to vector<16xf32>
        %mul3A_229 = arith.mulf %mul3A_217, %bitcast3A_228 : vector<16xf32>
        %add3A_230 = arith.addf %mul3A_224, %mul3A_229 : vector<16xf32>
        %shift_left3A_231 = arith.constant 16 : i32
        %shift_left3A_232 = vector.broadcast %shift_left3A_231 : i32 to vector<16xi32>
        %shift_left3A_233 = arith.shli %gather3A_203, %shift_left3A_232 : vector<16xi32>
        %bitcast3A_234 = vector.bitcast %shift_left3A_233 : vector<16xi32> to vector<16xf32>
        %mul3A_235 = arith.mulf %mul3A_218, %bitcast3A_234 : vector<16xf32>
        %add3A_236 = arith.addf %add3A_230, %mul3A_235 : vector<16xf32>
        %shift_left3A_237 = arith.constant 16 : i32
        %shift_left3A_238 = vector.broadcast %shift_left3A_237 : i32 to vector<16xi32>
        %shift_left3A_239 = arith.shli %gather3A_205, %shift_left3A_238 : vector<16xi32>
        %bitcast3A_240 = vector.bitcast %shift_left3A_239 : vector<16xi32> to vector<16xf32>
        %mul3A_241 = arith.mulf %mul3A_219, %bitcast3A_240 : vector<16xf32>
        %add3A_242 = arith.addf %add3A_236, %mul3A_241 : vector<16xf32>
        %and3A_243 = vector.broadcast %scan3A : i32 to vector<16xi32>
        %and3A_244 = arith.andi %gather3A_202, %and3A_243 : vector<16xi32>
        %bitcast3A_245 = vector.bitcast %and3A_244 : vector<16xi32> to vector<16xf32>
        %mul3A_246 = arith.mulf %mul3A_216, %bitcast3A_245 : vector<16xf32>
        %and3A_247 = vector.broadcast %scan3A : i32 to vector<16xi32>
        %and3A_248 = arith.andi %gather3A_204, %and3A_247 : vector<16xi32>
        %bitcast3A_249 = vector.bitcast %and3A_248 : vector<16xi32> to vector<16xf32>
        %mul3A_250 = arith.mulf %mul3A_217, %bitcast3A_249 : vector<16xf32>
        %add3A_251 = arith.addf %mul3A_246, %mul3A_250 : vector<16xf32>
        %and3A_252 = vector.broadcast %scan3A : i32 to vector<16xi32>
        %and3A_253 = arith.andi %gather3A_203, %and3A_252 : vector<16xi32>
        %bitcast3A_254 = vector.bitcast %and3A_253 : vector<16xi32> to vector<16xf32>
        %mul3A_255 = arith.mulf %mul3A_218, %bitcast3A_254 : vector<16xf32>
        %add3A_256 = arith.addf %add3A_251, %mul3A_255 : vector<16xf32>
        %and3A_257 = vector.broadcast %scan3A : i32 to vector<16xi32>
        %and3A_258 = arith.andi %gather3A_205, %and3A_257 : vector<16xi32>
        %bitcast3A_259 = vector.bitcast %and3A_258 : vector<16xi32> to vector<16xf32>
        %mul3A_260 = arith.mulf %mul3A_219, %bitcast3A_259 : vector<16xf32>
        %add3A_261 = arith.addf %add3A_256, %mul3A_260 : vector<16xf32>
        %mul3A_262 = arith.mulf %mul3A_216, %gather3A_206 : vector<16xf32>
        %mul3A_263 = arith.mulf %mul3A_217, %gather3A_208 : vector<16xf32>
        %add3A_264 = arith.addf %mul3A_262, %mul3A_263 : vector<16xf32>
        %mul3A_265 = arith.mulf %mul3A_218, %gather3A_207 : vector<16xf32>
        %add3A_266 = arith.addf %add3A_264, %mul3A_265 : vector<16xf32>
        %mul3A_267 = arith.mulf %mul3A_219, %gather3A_209 : vector<16xf32>
        %add3A_268 = arith.addf %add3A_266, %mul3A_267 : vector<16xf32>
        %mul3A_269 = arith.constant 16 : i32
        %mul3A_270 = arith.muli %add3A_155, %mul3A_269 : i32
        %add3A_271 = vector.broadcast %mul3A_270 : i32 to vector<16xi32>
        %add3A_272 = arith.addi %add3A_271, %iota3A : vector<16xi32>
        %mul3A_273 = arith.constant 3 : i32
        %mul3A_274 = vector.broadcast %mul3A_273 : i32 to vector<16xi32>
        %mul3A_275 = arith.muli %add3A_272, %mul3A_274 : vector<16xi32>
        tpu.vector_store_idx %arg9[%mul3A_275], %add3A_242 : memref<6144xf32, #tpu.memory_space<vmem>>[vector<16xi32>], vector<16xf32>,
        %add3A_276 = arith.constant 1 : i32
        %add3A_277 = vector.broadcast %add3A_276 : i32 to vector<16xi32>
        %add3A_278 = arith.addi %mul3A_275, %add3A_277 : vector<16xi32>
        tpu.vector_store_idx %arg9[%add3A_278], %add3A_261 : memref<6144xf32, #tpu.memory_space<vmem>>[vector<16xi32>], vector<16xf32>,
        %add3A_279 = arith.constant 2 : i32
        %add3A_280 = vector.broadcast %add3A_279 : i32 to vector<16xi32>
        %add3A_281 = arith.addi %mul3A_275, %add3A_280 : vector<16xi32>
        tpu.vector_store_idx %arg9[%add3A_281], %add3A_268 : memref<6144xf32, #tpu.memory_space<vmem>>[vector<16xi32>], vector<16xf32>,
        %mul3A_282 = arith.constant 8 : i32
        %mul3A_283 = arith.muli %scan3A_27, %mul3A_282 : i32
        %add3A_284 = arith.constant 2 : i32
        %add3A_285 = arith.addi %mul3A_283, %add3A_284 : i32
        %mul3A_286 = arith.constant 16 : i32
        %mul3A_287 = arith.muli %add3A_285, %mul3A_286 : i32
        %add3A_288 = vector.broadcast %mul3A_287 : i32 to vector<16xi32>
        %add3A_289 = arith.addi %add3A_288, %iota3A : vector<16xi32>
        %mul3A_290 = arith.constant 2 : i32
        %mul3A_291 = vector.broadcast %mul3A_290 : i32 to vector<16xi32>
        %mul3A_292 = arith.muli %add3A_289, %mul3A_291 : vector<16xi32>
        %gather3A_293 = tpu.vector_load_idx %arg8[%mul3A_292] : memref<4096xf32, #tpu.memory_space<vmem>>[vector<16xi32>], vector<16xf32>,
        %add3A_294 = arith.constant 1 : i32
        %add3A_295 = vector.broadcast %add3A_294 : i32 to vector<16xi32>
        %add3A_296 = arith.addi %mul3A_292, %add3A_295 : vector<16xi32>
        %gather3A_297 = tpu.vector_load_idx %arg8[%add3A_296] : memref<4096xf32, #tpu.memory_space<vmem>>[vector<16xi32>], vector<16xf32>,
        %mul3A_298 = arith.constant 2.550000e+02 : f32
        %mul3A_299 = vector.broadcast %mul3A_298 : f32 to vector<16xf32>
        %mul3A_300 = arith.mulf %gather3A_293, %mul3A_299 : vector<16xf32>
        %mul3A_301 = arith.constant 1.910000e+02 : f32
        %mul3A_302 = vector.broadcast %mul3A_301 : f32 to vector<16xf32>
        %mul3A_303 = arith.mulf %gather3A_297, %mul3A_302 : vector<16xf32>
        %convert_element_type3A_304 = arith.fptosi %mul3A_300 : vector<16xf32> to vector<16xi32>
        %min3A_305 = arith.constant 254 : i32
        %min3A_306 = vector.broadcast %min3A_305 : i32 to vector<16xi32>
        %min3A_307 = arith.minsi %convert_element_type3A_304, %min3A_306 : vector<16xi32>
        %convert_element_type3A_308 = arith.fptosi %mul3A_303 : vector<16xf32> to vector<16xi32>
        %min3A_309 = arith.constant 190 : i32
        %min3A_310 = vector.broadcast %min3A_309 : i32 to vector<16xi32>
        %min3A_311 = arith.minsi %convert_element_type3A_308, %min3A_310 : vector<16xi32>
        %convert_element_type3A_312 = arith.sitofp %min3A_307 : vector<16xi32> to vector<16xf32>
        %sub3A_313 = arith.subf %mul3A_300, %convert_element_type3A_312 : vector<16xf32>
        %convert_element_type3A_314 = arith.sitofp %min3A_311 : vector<16xi32> to vector<16xf32>
        %sub3A_315 = arith.subf %mul3A_303, %convert_element_type3A_314 : vector<16xf32>
        %mul3A_316 = arith.constant 192 : i32
        %mul3A_317 = vector.broadcast %mul3A_316 : i32 to vector<16xi32>
        %mul3A_318 = arith.muli %min3A_307, %mul3A_317 : vector<16xi32>
        %add3A_319 = arith.addi %mul3A_318, %min3A_311 : vector<16xi32>
        %add3A_320 = arith.constant 1 : i32
        %add3A_321 = vector.broadcast %add3A_320 : i32 to vector<16xi32>
        %add3A_322 = arith.addi %add3A_319, %add3A_321 : vector<16xi32>
        %add3A_323 = arith.constant 192 : i32
        %add3A_324 = vector.broadcast %add3A_323 : i32 to vector<16xi32>
        %add3A_325 = arith.addi %add3A_319, %add3A_324 : vector<16xi32>
        %add3A_326 = arith.constant 192 : i32
        %add3A_327 = vector.broadcast %add3A_326 : i32 to vector<16xi32>
        %add3A_328 = arith.addi %add3A_319, %add3A_327 : vector<16xi32>
        %add3A_329 = arith.constant 1 : i32
        %add3A_330 = vector.broadcast %add3A_329 : i32 to vector<16xi32>
        %add3A_331 = arith.addi %add3A_328, %add3A_330 : vector<16xi32>
        %gather3A_332 = tpu.vector_load_idx %arg6[%add3A_319] : memref<49152xi32, #tpu.memory_space<vmem>>[vector<16xi32>], vector<16xi32>,
        %gather3A_333 = tpu.vector_load_idx %arg6[%add3A_322] : memref<49152xi32, #tpu.memory_space<vmem>>[vector<16xi32>], vector<16xi32>,
        %gather3A_334 = tpu.vector_load_idx %arg6[%add3A_325] : memref<49152xi32, #tpu.memory_space<vmem>>[vector<16xi32>], vector<16xi32>,
        %gather3A_335 = tpu.vector_load_idx %arg6[%add3A_331] : memref<49152xi32, #tpu.memory_space<vmem>>[vector<16xi32>], vector<16xi32>,
        %gather3A_336 = tpu.vector_load_idx %arg7[%add3A_319] : memref<49152xf32, #tpu.memory_space<vmem>>[vector<16xi32>], vector<16xf32>,
        %gather3A_337 = tpu.vector_load_idx %arg7[%add3A_322] : memref<49152xf32, #tpu.memory_space<vmem>>[vector<16xi32>], vector<16xf32>,
        %gather3A_338 = tpu.vector_load_idx %arg7[%add3A_325] : memref<49152xf32, #tpu.memory_space<vmem>>[vector<16xi32>], vector<16xf32>,
        %gather3A_339 = tpu.vector_load_idx %arg7[%add3A_331] : memref<49152xf32, #tpu.memory_space<vmem>>[vector<16xi32>], vector<16xf32>,
        %sub3A_340 = arith.constant 1.000000e+00 : f32
        %sub3A_341 = vector.broadcast %sub3A_340 : f32 to vector<16xf32>
        %sub3A_342 = arith.subf %sub3A_341, %sub3A_313 : vector<16xf32>
        %sub3A_343 = arith.constant 1.000000e+00 : f32
        %sub3A_344 = vector.broadcast %sub3A_343 : f32 to vector<16xf32>
        %sub3A_345 = arith.subf %sub3A_344, %sub3A_315 : vector<16xf32>
        %mul3A_346 = arith.mulf %sub3A_342, %sub3A_345 : vector<16xf32>
        %mul3A_347 = arith.mulf %sub3A_313, %sub3A_345 : vector<16xf32>
        %mul3A_348 = arith.mulf %sub3A_342, %sub3A_315 : vector<16xf32>
        %mul3A_349 = arith.mulf %sub3A_313, %sub3A_315 : vector<16xf32>
        %shift_left3A_350 = arith.constant 16 : i32
        %shift_left3A_351 = vector.broadcast %shift_left3A_350 : i32 to vector<16xi32>
        %shift_left3A_352 = arith.shli %gather3A_332, %shift_left3A_351 : vector<16xi32>
        %bitcast3A_353 = vector.bitcast %shift_left3A_352 : vector<16xi32> to vector<16xf32>
        %mul3A_354 = arith.mulf %mul3A_346, %bitcast3A_353 : vector<16xf32>
        %shift_left3A_355 = arith.constant 16 : i32
        %shift_left3A_356 = vector.broadcast %shift_left3A_355 : i32 to vector<16xi32>
        %shift_left3A_357 = arith.shli %gather3A_334, %shift_left3A_356 : vector<16xi32>
        %bitcast3A_358 = vector.bitcast %shift_left3A_357 : vector<16xi32> to vector<16xf32>
        %mul3A_359 = arith.mulf %mul3A_347, %bitcast3A_358 : vector<16xf32>
        %add3A_360 = arith.addf %mul3A_354, %mul3A_359 : vector<16xf32>
        %shift_left3A_361 = arith.constant 16 : i32
        %shift_left3A_362 = vector.broadcast %shift_left3A_361 : i32 to vector<16xi32>
        %shift_left3A_363 = arith.shli %gather3A_333, %shift_left3A_362 : vector<16xi32>
        %bitcast3A_364 = vector.bitcast %shift_left3A_363 : vector<16xi32> to vector<16xf32>
        %mul3A_365 = arith.mulf %mul3A_348, %bitcast3A_364 : vector<16xf32>
        %add3A_366 = arith.addf %add3A_360, %mul3A_365 : vector<16xf32>
        %shift_left3A_367 = arith.constant 16 : i32
        %shift_left3A_368 = vector.broadcast %shift_left3A_367 : i32 to vector<16xi32>
        %shift_left3A_369 = arith.shli %gather3A_335, %shift_left3A_368 : vector<16xi32>
        %bitcast3A_370 = vector.bitcast %shift_left3A_369 : vector<16xi32> to vector<16xf32>
        %mul3A_371 = arith.mulf %mul3A_349, %bitcast3A_370 : vector<16xf32>
        %add3A_372 = arith.addf %add3A_366, %mul3A_371 : vector<16xf32>
        %and3A_373 = vector.broadcast %scan3A : i32 to vector<16xi32>
        %and3A_374 = arith.andi %gather3A_332, %and3A_373 : vector<16xi32>
        %bitcast3A_375 = vector.bitcast %and3A_374 : vector<16xi32> to vector<16xf32>
        %mul3A_376 = arith.mulf %mul3A_346, %bitcast3A_375 : vector<16xf32>
        %and3A_377 = vector.broadcast %scan3A : i32 to vector<16xi32>
        %and3A_378 = arith.andi %gather3A_334, %and3A_377 : vector<16xi32>
        %bitcast3A_379 = vector.bitcast %and3A_378 : vector<16xi32> to vector<16xf32>
        %mul3A_380 = arith.mulf %mul3A_347, %bitcast3A_379 : vector<16xf32>
        %add3A_381 = arith.addf %mul3A_376, %mul3A_380 : vector<16xf32>
        %and3A_382 = vector.broadcast %scan3A : i32 to vector<16xi32>
        %and3A_383 = arith.andi %gather3A_333, %and3A_382 : vector<16xi32>
        %bitcast3A_384 = vector.bitcast %and3A_383 : vector<16xi32> to vector<16xf32>
        %mul3A_385 = arith.mulf %mul3A_348, %bitcast3A_384 : vector<16xf32>
        %add3A_386 = arith.addf %add3A_381, %mul3A_385 : vector<16xf32>
        %and3A_387 = vector.broadcast %scan3A : i32 to vector<16xi32>
        %and3A_388 = arith.andi %gather3A_335, %and3A_387 : vector<16xi32>
        %bitcast3A_389 = vector.bitcast %and3A_388 : vector<16xi32> to vector<16xf32>
        %mul3A_390 = arith.mulf %mul3A_349, %bitcast3A_389 : vector<16xf32>
        %add3A_391 = arith.addf %add3A_386, %mul3A_390 : vector<16xf32>
        %mul3A_392 = arith.mulf %mul3A_346, %gather3A_336 : vector<16xf32>
        %mul3A_393 = arith.mulf %mul3A_347, %gather3A_338 : vector<16xf32>
        %add3A_394 = arith.addf %mul3A_392, %mul3A_393 : vector<16xf32>
        %mul3A_395 = arith.mulf %mul3A_348, %gather3A_337 : vector<16xf32>
        %add3A_396 = arith.addf %add3A_394, %mul3A_395 : vector<16xf32>
        %mul3A_397 = arith.mulf %mul3A_349, %gather3A_339 : vector<16xf32>
        %add3A_398 = arith.addf %add3A_396, %mul3A_397 : vector<16xf32>
        %mul3A_399 = arith.constant 16 : i32
        %mul3A_400 = arith.muli %add3A_285, %mul3A_399 : i32
        %add3A_401 = vector.broadcast %mul3A_400 : i32 to vector<16xi32>
        %add3A_402 = arith.addi %add3A_401, %iota3A : vector<16xi32>
        %mul3A_403 = arith.constant 3 : i32
        %mul3A_404 = vector.broadcast %mul3A_403 : i32 to vector<16xi32>
        %mul3A_405 = arith.muli %add3A_402, %mul3A_404 : vector<16xi32>
        tpu.vector_store_idx %arg9[%mul3A_405], %add3A_372 : memref<6144xf32, #tpu.memory_space<vmem>>[vector<16xi32>], vector<16xf32>,
        %add3A_406 = arith.constant 1 : i32
        %add3A_407 = vector.broadcast %add3A_406 : i32 to vector<16xi32>
        %add3A_408 = arith.addi %mul3A_405, %add3A_407 : vector<16xi32>
        tpu.vector_store_idx %arg9[%add3A_408], %add3A_391 : memref<6144xf32, #tpu.memory_space<vmem>>[vector<16xi32>], vector<16xf32>,
        %add3A_409 = arith.constant 2 : i32
        %add3A_410 = vector.broadcast %add3A_409 : i32 to vector<16xi32>
        %add3A_411 = arith.addi %mul3A_405, %add3A_410 : vector<16xi32>
        tpu.vector_store_idx %arg9[%add3A_411], %add3A_398 : memref<6144xf32, #tpu.memory_space<vmem>>[vector<16xi32>], vector<16xf32>,
        %mul3A_412 = arith.constant 8 : i32
        %mul3A_413 = arith.muli %scan3A_27, %mul3A_412 : i32
        %add3A_414 = arith.constant 3 : i32
        %add3A_415 = arith.addi %mul3A_413, %add3A_414 : i32
        %mul3A_416 = arith.constant 16 : i32
        %mul3A_417 = arith.muli %add3A_415, %mul3A_416 : i32
        %add3A_418 = vector.broadcast %mul3A_417 : i32 to vector<16xi32>
        %add3A_419 = arith.addi %add3A_418, %iota3A : vector<16xi32>
        %mul3A_420 = arith.constant 2 : i32
        %mul3A_421 = vector.broadcast %mul3A_420 : i32 to vector<16xi32>
        %mul3A_422 = arith.muli %add3A_419, %mul3A_421 : vector<16xi32>
        %gather3A_423 = tpu.vector_load_idx %arg8[%mul3A_422] : memref<4096xf32, #tpu.memory_space<vmem>>[vector<16xi32>], vector<16xf32>,
        %add3A_424 = arith.constant 1 : i32
        %add3A_425 = vector.broadcast %add3A_424 : i32 to vector<16xi32>
        %add3A_426 = arith.addi %mul3A_422, %add3A_425 : vector<16xi32>
        %gather3A_427 = tpu.vector_load_idx %arg8[%add3A_426] : memref<4096xf32, #tpu.memory_space<vmem>>[vector<16xi32>], vector<16xf32>,
        %mul3A_428 = arith.constant 2.550000e+02 : f32
        %mul3A_429 = vector.broadcast %mul3A_428 : f32 to vector<16xf32>
        %mul3A_430 = arith.mulf %gather3A_423, %mul3A_429 : vector<16xf32>
        %mul3A_431 = arith.constant 1.910000e+02 : f32
        %mul3A_432 = vector.broadcast %mul3A_431 : f32 to vector<16xf32>
        %mul3A_433 = arith.mulf %gather3A_427, %mul3A_432 : vector<16xf32>
        %convert_element_type3A_434 = arith.fptosi %mul3A_430 : vector<16xf32> to vector<16xi32>
        %min3A_435 = arith.constant 254 : i32
        %min3A_436 = vector.broadcast %min3A_435 : i32 to vector<16xi32>
        %min3A_437 = arith.minsi %convert_element_type3A_434, %min3A_436 : vector<16xi32>
        %convert_element_type3A_438 = arith.fptosi %mul3A_433 : vector<16xf32> to vector<16xi32>
        %min3A_439 = arith.constant 190 : i32
        %min3A_440 = vector.broadcast %min3A_439 : i32 to vector<16xi32>
        %min3A_441 = arith.minsi %convert_element_type3A_438, %min3A_440 : vector<16xi32>
        %convert_element_type3A_442 = arith.sitofp %min3A_437 : vector<16xi32> to vector<16xf32>
        %sub3A_443 = arith.subf %mul3A_430, %convert_element_type3A_442 : vector<16xf32>
        %convert_element_type3A_444 = arith.sitofp %min3A_441 : vector<16xi32> to vector<16xf32>
        %sub3A_445 = arith.subf %mul3A_433, %convert_element_type3A_444 : vector<16xf32>
        %mul3A_446 = arith.constant 192 : i32
        %mul3A_447 = vector.broadcast %mul3A_446 : i32 to vector<16xi32>
        %mul3A_448 = arith.muli %min3A_437, %mul3A_447 : vector<16xi32>
        %add3A_449 = arith.addi %mul3A_448, %min3A_441 : vector<16xi32>
        %add3A_450 = arith.constant 1 : i32
        %add3A_451 = vector.broadcast %add3A_450 : i32 to vector<16xi32>
        %add3A_452 = arith.addi %add3A_449, %add3A_451 : vector<16xi32>
        %add3A_453 = arith.constant 192 : i32
        %add3A_454 = vector.broadcast %add3A_453 : i32 to vector<16xi32>
        %add3A_455 = arith.addi %add3A_449, %add3A_454 : vector<16xi32>
        %add3A_456 = arith.constant 192 : i32
        %add3A_457 = vector.broadcast %add3A_456 : i32 to vector<16xi32>
        %add3A_458 = arith.addi %add3A_449, %add3A_457 : vector<16xi32>
        %add3A_459 = arith.constant 1 : i32
        %add3A_460 = vector.broadcast %add3A_459 : i32 to vector<16xi32>
        %add3A_461 = arith.addi %add3A_458, %add3A_460 : vector<16xi32>
        %gather3A_462 = tpu.vector_load_idx %arg6[%add3A_449] : memref<49152xi32, #tpu.memory_space<vmem>>[vector<16xi32>], vector<16xi32>,
        %gather3A_463 = tpu.vector_load_idx %arg6[%add3A_452] : memref<49152xi32, #tpu.memory_space<vmem>>[vector<16xi32>], vector<16xi32>,
        %gather3A_464 = tpu.vector_load_idx %arg6[%add3A_455] : memref<49152xi32, #tpu.memory_space<vmem>>[vector<16xi32>], vector<16xi32>,
        %gather3A_465 = tpu.vector_load_idx %arg6[%add3A_461] : memref<49152xi32, #tpu.memory_space<vmem>>[vector<16xi32>], vector<16xi32>,
        %gather3A_466 = tpu.vector_load_idx %arg7[%add3A_449] : memref<49152xf32, #tpu.memory_space<vmem>>[vector<16xi32>], vector<16xf32>,
        %gather3A_467 = tpu.vector_load_idx %arg7[%add3A_452] : memref<49152xf32, #tpu.memory_space<vmem>>[vector<16xi32>], vector<16xf32>,
        %gather3A_468 = tpu.vector_load_idx %arg7[%add3A_455] : memref<49152xf32, #tpu.memory_space<vmem>>[vector<16xi32>], vector<16xf32>,
        %gather3A_469 = tpu.vector_load_idx %arg7[%add3A_461] : memref<49152xf32, #tpu.memory_space<vmem>>[vector<16xi32>], vector<16xf32>,
        %sub3A_470 = arith.constant 1.000000e+00 : f32
        %sub3A_471 = vector.broadcast %sub3A_470 : f32 to vector<16xf32>
        %sub3A_472 = arith.subf %sub3A_471, %sub3A_443 : vector<16xf32>
        %sub3A_473 = arith.constant 1.000000e+00 : f32
        %sub3A_474 = vector.broadcast %sub3A_473 : f32 to vector<16xf32>
        %sub3A_475 = arith.subf %sub3A_474, %sub3A_445 : vector<16xf32>
        %mul3A_476 = arith.mulf %sub3A_472, %sub3A_475 : vector<16xf32>
        %mul3A_477 = arith.mulf %sub3A_443, %sub3A_475 : vector<16xf32>
        %mul3A_478 = arith.mulf %sub3A_472, %sub3A_445 : vector<16xf32>
        %mul3A_479 = arith.mulf %sub3A_443, %sub3A_445 : vector<16xf32>
        %shift_left3A_480 = arith.constant 16 : i32
        %shift_left3A_481 = vector.broadcast %shift_left3A_480 : i32 to vector<16xi32>
        %shift_left3A_482 = arith.shli %gather3A_462, %shift_left3A_481 : vector<16xi32>
        %bitcast3A_483 = vector.bitcast %shift_left3A_482 : vector<16xi32> to vector<16xf32>
        %mul3A_484 = arith.mulf %mul3A_476, %bitcast3A_483 : vector<16xf32>
        %shift_left3A_485 = arith.constant 16 : i32
        %shift_left3A_486 = vector.broadcast %shift_left3A_485 : i32 to vector<16xi32>
        %shift_left3A_487 = arith.shli %gather3A_464, %shift_left3A_486 : vector<16xi32>
        %bitcast3A_488 = vector.bitcast %shift_left3A_487 : vector<16xi32> to vector<16xf32>
        %mul3A_489 = arith.mulf %mul3A_477, %bitcast3A_488 : vector<16xf32>
        %add3A_490 = arith.addf %mul3A_484, %mul3A_489 : vector<16xf32>
        %shift_left3A_491 = arith.constant 16 : i32
        %shift_left3A_492 = vector.broadcast %shift_left3A_491 : i32 to vector<16xi32>
        %shift_left3A_493 = arith.shli %gather3A_463, %shift_left3A_492 : vector<16xi32>
        %bitcast3A_494 = vector.bitcast %shift_left3A_493 : vector<16xi32> to vector<16xf32>
        %mul3A_495 = arith.mulf %mul3A_478, %bitcast3A_494 : vector<16xf32>
        %add3A_496 = arith.addf %add3A_490, %mul3A_495 : vector<16xf32>
        %shift_left3A_497 = arith.constant 16 : i32
        %shift_left3A_498 = vector.broadcast %shift_left3A_497 : i32 to vector<16xi32>
        %shift_left3A_499 = arith.shli %gather3A_465, %shift_left3A_498 : vector<16xi32>
        %bitcast3A_500 = vector.bitcast %shift_left3A_499 : vector<16xi32> to vector<16xf32>
        %mul3A_501 = arith.mulf %mul3A_479, %bitcast3A_500 : vector<16xf32>
        %add3A_502 = arith.addf %add3A_496, %mul3A_501 : vector<16xf32>
        %and3A_503 = vector.broadcast %scan3A : i32 to vector<16xi32>
        %and3A_504 = arith.andi %gather3A_462, %and3A_503 : vector<16xi32>
        %bitcast3A_505 = vector.bitcast %and3A_504 : vector<16xi32> to vector<16xf32>
        %mul3A_506 = arith.mulf %mul3A_476, %bitcast3A_505 : vector<16xf32>
        %and3A_507 = vector.broadcast %scan3A : i32 to vector<16xi32>
        %and3A_508 = arith.andi %gather3A_464, %and3A_507 : vector<16xi32>
        %bitcast3A_509 = vector.bitcast %and3A_508 : vector<16xi32> to vector<16xf32>
        %mul3A_510 = arith.mulf %mul3A_477, %bitcast3A_509 : vector<16xf32>
        %add3A_511 = arith.addf %mul3A_506, %mul3A_510 : vector<16xf32>
        %and3A_512 = vector.broadcast %scan3A : i32 to vector<16xi32>
        %and3A_513 = arith.andi %gather3A_463, %and3A_512 : vector<16xi32>
        %bitcast3A_514 = vector.bitcast %and3A_513 : vector<16xi32> to vector<16xf32>
        %mul3A_515 = arith.mulf %mul3A_478, %bitcast3A_514 : vector<16xf32>
        %add3A_516 = arith.addf %add3A_511, %mul3A_515 : vector<16xf32>
        %and3A_517 = vector.broadcast %scan3A : i32 to vector<16xi32>
        %and3A_518 = arith.andi %gather3A_465, %and3A_517 : vector<16xi32>
        %bitcast3A_519 = vector.bitcast %and3A_518 : vector<16xi32> to vector<16xf32>
        %mul3A_520 = arith.mulf %mul3A_479, %bitcast3A_519 : vector<16xf32>
        %add3A_521 = arith.addf %add3A_516, %mul3A_520 : vector<16xf32>
        %mul3A_522 = arith.mulf %mul3A_476, %gather3A_466 : vector<16xf32>
        %mul3A_523 = arith.mulf %mul3A_477, %gather3A_468 : vector<16xf32>
        %add3A_524 = arith.addf %mul3A_522, %mul3A_523 : vector<16xf32>
        %mul3A_525 = arith.mulf %mul3A_478, %gather3A_467 : vector<16xf32>
        %add3A_526 = arith.addf %add3A_524, %mul3A_525 : vector<16xf32>
        %mul3A_527 = arith.mulf %mul3A_479, %gather3A_469 : vector<16xf32>
        %add3A_528 = arith.addf %add3A_526, %mul3A_527 : vector<16xf32>
        %mul3A_529 = arith.constant 16 : i32
        %mul3A_530 = arith.muli %add3A_415, %mul3A_529 : i32
        %add3A_531 = vector.broadcast %mul3A_530 : i32 to vector<16xi32>
        %add3A_532 = arith.addi %add3A_531, %iota3A : vector<16xi32>
        %mul3A_533 = arith.constant 3 : i32
        %mul3A_534 = vector.broadcast %mul3A_533 : i32 to vector<16xi32>
        %mul3A_535 = arith.muli %add3A_532, %mul3A_534 : vector<16xi32>
        tpu.vector_store_idx %arg9[%mul3A_535], %add3A_502 : memref<6144xf32, #tpu.memory_space<vmem>>[vector<16xi32>], vector<16xf32>,
        %add3A_536 = arith.constant 1 : i32
        %add3A_537 = vector.broadcast %add3A_536 : i32 to vector<16xi32>
        %add3A_538 = arith.addi %mul3A_535, %add3A_537 : vector<16xi32>
        tpu.vector_store_idx %arg9[%add3A_538], %add3A_521 : memref<6144xf32, #tpu.memory_space<vmem>>[vector<16xi32>], vector<16xf32>,
        %add3A_539 = arith.constant 2 : i32
        %add3A_540 = vector.broadcast %add3A_539 : i32 to vector<16xi32>
        %add3A_541 = arith.addi %mul3A_535, %add3A_540 : vector<16xi32>
        tpu.vector_store_idx %arg9[%add3A_541], %add3A_528 : memref<6144xf32, #tpu.memory_space<vmem>>[vector<16xi32>], vector<16xf32>,
        %mul3A_542 = arith.constant 8 : i32
        %mul3A_543 = arith.muli %scan3A_27, %mul3A_542 : i32
        %add3A_544 = arith.constant 4 : i32
        %add3A_545 = arith.addi %mul3A_543, %add3A_544 : i32
        %mul3A_546 = arith.constant 16 : i32
        %mul3A_547 = arith.muli %add3A_545, %mul3A_546 : i32
        %add3A_548 = vector.broadcast %mul3A_547 : i32 to vector<16xi32>
        %add3A_549 = arith.addi %add3A_548, %iota3A : vector<16xi32>
        %mul3A_550 = arith.constant 2 : i32
        %mul3A_551 = vector.broadcast %mul3A_550 : i32 to vector<16xi32>
        %mul3A_552 = arith.muli %add3A_549, %mul3A_551 : vector<16xi32>
        %gather3A_553 = tpu.vector_load_idx %arg8[%mul3A_552] : memref<4096xf32, #tpu.memory_space<vmem>>[vector<16xi32>], vector<16xf32>,
        %add3A_554 = arith.constant 1 : i32
        %add3A_555 = vector.broadcast %add3A_554 : i32 to vector<16xi32>
        %add3A_556 = arith.addi %mul3A_552, %add3A_555 : vector<16xi32>
        %gather3A_557 = tpu.vector_load_idx %arg8[%add3A_556] : memref<4096xf32, #tpu.memory_space<vmem>>[vector<16xi32>], vector<16xf32>,
        %mul3A_558 = arith.constant 2.550000e+02 : f32
        %mul3A_559 = vector.broadcast %mul3A_558 : f32 to vector<16xf32>
        %mul3A_560 = arith.mulf %gather3A_553, %mul3A_559 : vector<16xf32>
        %mul3A_561 = arith.constant 1.910000e+02 : f32
        %mul3A_562 = vector.broadcast %mul3A_561 : f32 to vector<16xf32>
        %mul3A_563 = arith.mulf %gather3A_557, %mul3A_562 : vector<16xf32>
        %convert_element_type3A_564 = arith.fptosi %mul3A_560 : vector<16xf32> to vector<16xi32>
        %min3A_565 = arith.constant 254 : i32
        %min3A_566 = vector.broadcast %min3A_565 : i32 to vector<16xi32>
        %min3A_567 = arith.minsi %convert_element_type3A_564, %min3A_566 : vector<16xi32>
        %convert_element_type3A_568 = arith.fptosi %mul3A_563 : vector<16xf32> to vector<16xi32>
        %min3A_569 = arith.constant 190 : i32
        %min3A_570 = vector.broadcast %min3A_569 : i32 to vector<16xi32>
        %min3A_571 = arith.minsi %convert_element_type3A_568, %min3A_570 : vector<16xi32>
        %convert_element_type3A_572 = arith.sitofp %min3A_567 : vector<16xi32> to vector<16xf32>
        %sub3A_573 = arith.subf %mul3A_560, %convert_element_type3A_572 : vector<16xf32>
        %convert_element_type3A_574 = arith.sitofp %min3A_571 : vector<16xi32> to vector<16xf32>
        %sub3A_575 = arith.subf %mul3A_563, %convert_element_type3A_574 : vector<16xf32>
        %mul3A_576 = arith.constant 192 : i32
        %mul3A_577 = vector.broadcast %mul3A_576 : i32 to vector<16xi32>
        %mul3A_578 = arith.muli %min3A_567, %mul3A_577 : vector<16xi32>
        %add3A_579 = arith.addi %mul3A_578, %min3A_571 : vector<16xi32>
        %add3A_580 = arith.constant 1 : i32
        %add3A_581 = vector.broadcast %add3A_580 : i32 to vector<16xi32>
        %add3A_582 = arith.addi %add3A_579, %add3A_581 : vector<16xi32>
        %add3A_583 = arith.constant 192 : i32
        %add3A_584 = vector.broadcast %add3A_583 : i32 to vector<16xi32>
        %add3A_585 = arith.addi %add3A_579, %add3A_584 : vector<16xi32>
        %add3A_586 = arith.constant 192 : i32
        %add3A_587 = vector.broadcast %add3A_586 : i32 to vector<16xi32>
        %add3A_588 = arith.addi %add3A_579, %add3A_587 : vector<16xi32>
        %add3A_589 = arith.constant 1 : i32
        %add3A_590 = vector.broadcast %add3A_589 : i32 to vector<16xi32>
        %add3A_591 = arith.addi %add3A_588, %add3A_590 : vector<16xi32>
        %gather3A_592 = tpu.vector_load_idx %arg6[%add3A_579] : memref<49152xi32, #tpu.memory_space<vmem>>[vector<16xi32>], vector<16xi32>,
        %gather3A_593 = tpu.vector_load_idx %arg6[%add3A_582] : memref<49152xi32, #tpu.memory_space<vmem>>[vector<16xi32>], vector<16xi32>,
        %gather3A_594 = tpu.vector_load_idx %arg6[%add3A_585] : memref<49152xi32, #tpu.memory_space<vmem>>[vector<16xi32>], vector<16xi32>,
        %gather3A_595 = tpu.vector_load_idx %arg6[%add3A_591] : memref<49152xi32, #tpu.memory_space<vmem>>[vector<16xi32>], vector<16xi32>,
        %gather3A_596 = tpu.vector_load_idx %arg7[%add3A_579] : memref<49152xf32, #tpu.memory_space<vmem>>[vector<16xi32>], vector<16xf32>,
        %gather3A_597 = tpu.vector_load_idx %arg7[%add3A_582] : memref<49152xf32, #tpu.memory_space<vmem>>[vector<16xi32>], vector<16xf32>,
        %gather3A_598 = tpu.vector_load_idx %arg7[%add3A_585] : memref<49152xf32, #tpu.memory_space<vmem>>[vector<16xi32>], vector<16xf32>,
        %gather3A_599 = tpu.vector_load_idx %arg7[%add3A_591] : memref<49152xf32, #tpu.memory_space<vmem>>[vector<16xi32>], vector<16xf32>,
        %sub3A_600 = arith.constant 1.000000e+00 : f32
        %sub3A_601 = vector.broadcast %sub3A_600 : f32 to vector<16xf32>
        %sub3A_602 = arith.subf %sub3A_601, %sub3A_573 : vector<16xf32>
        %sub3A_603 = arith.constant 1.000000e+00 : f32
        %sub3A_604 = vector.broadcast %sub3A_603 : f32 to vector<16xf32>
        %sub3A_605 = arith.subf %sub3A_604, %sub3A_575 : vector<16xf32>
        %mul3A_606 = arith.mulf %sub3A_602, %sub3A_605 : vector<16xf32>
        %mul3A_607 = arith.mulf %sub3A_573, %sub3A_605 : vector<16xf32>
        %mul3A_608 = arith.mulf %sub3A_602, %sub3A_575 : vector<16xf32>
        %mul3A_609 = arith.mulf %sub3A_573, %sub3A_575 : vector<16xf32>
        %shift_left3A_610 = arith.constant 16 : i32
        %shift_left3A_611 = vector.broadcast %shift_left3A_610 : i32 to vector<16xi32>
        %shift_left3A_612 = arith.shli %gather3A_592, %shift_left3A_611 : vector<16xi32>
        %bitcast3A_613 = vector.bitcast %shift_left3A_612 : vector<16xi32> to vector<16xf32>
        %mul3A_614 = arith.mulf %mul3A_606, %bitcast3A_613 : vector<16xf32>
        %shift_left3A_615 = arith.constant 16 : i32
        %shift_left3A_616 = vector.broadcast %shift_left3A_615 : i32 to vector<16xi32>
        %shift_left3A_617 = arith.shli %gather3A_594, %shift_left3A_616 : vector<16xi32>
        %bitcast3A_618 = vector.bitcast %shift_left3A_617 : vector<16xi32> to vector<16xf32>
        %mul3A_619 = arith.mulf %mul3A_607, %bitcast3A_618 : vector<16xf32>
        %add3A_620 = arith.addf %mul3A_614, %mul3A_619 : vector<16xf32>
        %shift_left3A_621 = arith.constant 16 : i32
        %shift_left3A_622 = vector.broadcast %shift_left3A_621 : i32 to vector<16xi32>
        %shift_left3A_623 = arith.shli %gather3A_593, %shift_left3A_622 : vector<16xi32>
        %bitcast3A_624 = vector.bitcast %shift_left3A_623 : vector<16xi32> to vector<16xf32>
        %mul3A_625 = arith.mulf %mul3A_608, %bitcast3A_624 : vector<16xf32>
        %add3A_626 = arith.addf %add3A_620, %mul3A_625 : vector<16xf32>
        %shift_left3A_627 = arith.constant 16 : i32
        %shift_left3A_628 = vector.broadcast %shift_left3A_627 : i32 to vector<16xi32>
        %shift_left3A_629 = arith.shli %gather3A_595, %shift_left3A_628 : vector<16xi32>
        %bitcast3A_630 = vector.bitcast %shift_left3A_629 : vector<16xi32> to vector<16xf32>
        %mul3A_631 = arith.mulf %mul3A_609, %bitcast3A_630 : vector<16xf32>
        %add3A_632 = arith.addf %add3A_626, %mul3A_631 : vector<16xf32>
        %and3A_633 = vector.broadcast %scan3A : i32 to vector<16xi32>
        %and3A_634 = arith.andi %gather3A_592, %and3A_633 : vector<16xi32>
        %bitcast3A_635 = vector.bitcast %and3A_634 : vector<16xi32> to vector<16xf32>
        %mul3A_636 = arith.mulf %mul3A_606, %bitcast3A_635 : vector<16xf32>
        %and3A_637 = vector.broadcast %scan3A : i32 to vector<16xi32>
        %and3A_638 = arith.andi %gather3A_594, %and3A_637 : vector<16xi32>
        %bitcast3A_639 = vector.bitcast %and3A_638 : vector<16xi32> to vector<16xf32>
        %mul3A_640 = arith.mulf %mul3A_607, %bitcast3A_639 : vector<16xf32>
        %add3A_641 = arith.addf %mul3A_636, %mul3A_640 : vector<16xf32>
        %and3A_642 = vector.broadcast %scan3A : i32 to vector<16xi32>
        %and3A_643 = arith.andi %gather3A_593, %and3A_642 : vector<16xi32>
        %bitcast3A_644 = vector.bitcast %and3A_643 : vector<16xi32> to vector<16xf32>
        %mul3A_645 = arith.mulf %mul3A_608, %bitcast3A_644 : vector<16xf32>
        %add3A_646 = arith.addf %add3A_641, %mul3A_645 : vector<16xf32>
        %and3A_647 = vector.broadcast %scan3A : i32 to vector<16xi32>
        %and3A_648 = arith.andi %gather3A_595, %and3A_647 : vector<16xi32>
        %bitcast3A_649 = vector.bitcast %and3A_648 : vector<16xi32> to vector<16xf32>
        %mul3A_650 = arith.mulf %mul3A_609, %bitcast3A_649 : vector<16xf32>
        %add3A_651 = arith.addf %add3A_646, %mul3A_650 : vector<16xf32>
        %mul3A_652 = arith.mulf %mul3A_606, %gather3A_596 : vector<16xf32>
        %mul3A_653 = arith.mulf %mul3A_607, %gather3A_598 : vector<16xf32>
        %add3A_654 = arith.addf %mul3A_652, %mul3A_653 : vector<16xf32>
        %mul3A_655 = arith.mulf %mul3A_608, %gather3A_597 : vector<16xf32>
        %add3A_656 = arith.addf %add3A_654, %mul3A_655 : vector<16xf32>
        %mul3A_657 = arith.mulf %mul3A_609, %gather3A_599 : vector<16xf32>
        %add3A_658 = arith.addf %add3A_656, %mul3A_657 : vector<16xf32>
        %mul3A_659 = arith.constant 16 : i32
        %mul3A_660 = arith.muli %add3A_545, %mul3A_659 : i32
        %add3A_661 = vector.broadcast %mul3A_660 : i32 to vector<16xi32>
        %add3A_662 = arith.addi %add3A_661, %iota3A : vector<16xi32>
        %mul3A_663 = arith.constant 3 : i32
        %mul3A_664 = vector.broadcast %mul3A_663 : i32 to vector<16xi32>
        %mul3A_665 = arith.muli %add3A_662, %mul3A_664 : vector<16xi32>
        tpu.vector_store_idx %arg9[%mul3A_665], %add3A_632 : memref<6144xf32, #tpu.memory_space<vmem>>[vector<16xi32>], vector<16xf32>,
        %add3A_666 = arith.constant 1 : i32
        %add3A_667 = vector.broadcast %add3A_666 : i32 to vector<16xi32>
        %add3A_668 = arith.addi %mul3A_665, %add3A_667 : vector<16xi32>
        tpu.vector_store_idx %arg9[%add3A_668], %add3A_651 : memref<6144xf32, #tpu.memory_space<vmem>>[vector<16xi32>], vector<16xf32>,
        %add3A_669 = arith.constant 2 : i32
        %add3A_670 = vector.broadcast %add3A_669 : i32 to vector<16xi32>
        %add3A_671 = arith.addi %mul3A_665, %add3A_670 : vector<16xi32>
        tpu.vector_store_idx %arg9[%add3A_671], %add3A_658 : memref<6144xf32, #tpu.memory_space<vmem>>[vector<16xi32>], vector<16xf32>,
        %mul3A_672 = arith.constant 8 : i32
        %mul3A_673 = arith.muli %scan3A_27, %mul3A_672 : i32
        %add3A_674 = arith.constant 5 : i32
        %add3A_675 = arith.addi %mul3A_673, %add3A_674 : i32
        %mul3A_676 = arith.constant 16 : i32
        %mul3A_677 = arith.muli %add3A_675, %mul3A_676 : i32
        %add3A_678 = vector.broadcast %mul3A_677 : i32 to vector<16xi32>
        %add3A_679 = arith.addi %add3A_678, %iota3A : vector<16xi32>
        %mul3A_680 = arith.constant 2 : i32
        %mul3A_681 = vector.broadcast %mul3A_680 : i32 to vector<16xi32>
        %mul3A_682 = arith.muli %add3A_679, %mul3A_681 : vector<16xi32>
        %gather3A_683 = tpu.vector_load_idx %arg8[%mul3A_682] : memref<4096xf32, #tpu.memory_space<vmem>>[vector<16xi32>], vector<16xf32>,
        %add3A_684 = arith.constant 1 : i32
        %add3A_685 = vector.broadcast %add3A_684 : i32 to vector<16xi32>
        %add3A_686 = arith.addi %mul3A_682, %add3A_685 : vector<16xi32>
        %gather3A_687 = tpu.vector_load_idx %arg8[%add3A_686] : memref<4096xf32, #tpu.memory_space<vmem>>[vector<16xi32>], vector<16xf32>,
        %mul3A_688 = arith.constant 2.550000e+02 : f32
        %mul3A_689 = vector.broadcast %mul3A_688 : f32 to vector<16xf32>
        %mul3A_690 = arith.mulf %gather3A_683, %mul3A_689 : vector<16xf32>
        %mul3A_691 = arith.constant 1.910000e+02 : f32
        %mul3A_692 = vector.broadcast %mul3A_691 : f32 to vector<16xf32>
        %mul3A_693 = arith.mulf %gather3A_687, %mul3A_692 : vector<16xf32>
        %convert_element_type3A_694 = arith.fptosi %mul3A_690 : vector<16xf32> to vector<16xi32>
        %min3A_695 = arith.constant 254 : i32
        %min3A_696 = vector.broadcast %min3A_695 : i32 to vector<16xi32>
        %min3A_697 = arith.minsi %convert_element_type3A_694, %min3A_696 : vector<16xi32>
        %convert_element_type3A_698 = arith.fptosi %mul3A_693 : vector<16xf32> to vector<16xi32>
        %min3A_699 = arith.constant 190 : i32
        %min3A_700 = vector.broadcast %min3A_699 : i32 to vector<16xi32>
        %min3A_701 = arith.minsi %convert_element_type3A_698, %min3A_700 : vector<16xi32>
        %convert_element_type3A_702 = arith.sitofp %min3A_697 : vector<16xi32> to vector<16xf32>
        %sub3A_703 = arith.subf %mul3A_690, %convert_element_type3A_702 : vector<16xf32>
        %convert_element_type3A_704 = arith.sitofp %min3A_701 : vector<16xi32> to vector<16xf32>
        %sub3A_705 = arith.subf %mul3A_693, %convert_element_type3A_704 : vector<16xf32>
        %mul3A_706 = arith.constant 192 : i32
        %mul3A_707 = vector.broadcast %mul3A_706 : i32 to vector<16xi32>
        %mul3A_708 = arith.muli %min3A_697, %mul3A_707 : vector<16xi32>
        %add3A_709 = arith.addi %mul3A_708, %min3A_701 : vector<16xi32>
        %add3A_710 = arith.constant 1 : i32
        %add3A_711 = vector.broadcast %add3A_710 : i32 to vector<16xi32>
        %add3A_712 = arith.addi %add3A_709, %add3A_711 : vector<16xi32>
        %add3A_713 = arith.constant 192 : i32
        %add3A_714 = vector.broadcast %add3A_713 : i32 to vector<16xi32>
        %add3A_715 = arith.addi %add3A_709, %add3A_714 : vector<16xi32>
        %add3A_716 = arith.constant 192 : i32
        %add3A_717 = vector.broadcast %add3A_716 : i32 to vector<16xi32>
        %add3A_718 = arith.addi %add3A_709, %add3A_717 : vector<16xi32>
        %add3A_719 = arith.constant 1 : i32
        %add3A_720 = vector.broadcast %add3A_719 : i32 to vector<16xi32>
        %add3A_721 = arith.addi %add3A_718, %add3A_720 : vector<16xi32>
        %gather3A_722 = tpu.vector_load_idx %arg6[%add3A_709] : memref<49152xi32, #tpu.memory_space<vmem>>[vector<16xi32>], vector<16xi32>,
        %gather3A_723 = tpu.vector_load_idx %arg6[%add3A_712] : memref<49152xi32, #tpu.memory_space<vmem>>[vector<16xi32>], vector<16xi32>,
        %gather3A_724 = tpu.vector_load_idx %arg6[%add3A_715] : memref<49152xi32, #tpu.memory_space<vmem>>[vector<16xi32>], vector<16xi32>,
        %gather3A_725 = tpu.vector_load_idx %arg6[%add3A_721] : memref<49152xi32, #tpu.memory_space<vmem>>[vector<16xi32>], vector<16xi32>,
        %gather3A_726 = tpu.vector_load_idx %arg7[%add3A_709] : memref<49152xf32, #tpu.memory_space<vmem>>[vector<16xi32>], vector<16xf32>,
        %gather3A_727 = tpu.vector_load_idx %arg7[%add3A_712] : memref<49152xf32, #tpu.memory_space<vmem>>[vector<16xi32>], vector<16xf32>,
        %gather3A_728 = tpu.vector_load_idx %arg7[%add3A_715] : memref<49152xf32, #tpu.memory_space<vmem>>[vector<16xi32>], vector<16xf32>,
        %gather3A_729 = tpu.vector_load_idx %arg7[%add3A_721] : memref<49152xf32, #tpu.memory_space<vmem>>[vector<16xi32>], vector<16xf32>,
        %sub3A_730 = arith.constant 1.000000e+00 : f32
        %sub3A_731 = vector.broadcast %sub3A_730 : f32 to vector<16xf32>
        %sub3A_732 = arith.subf %sub3A_731, %sub3A_703 : vector<16xf32>
        %sub3A_733 = arith.constant 1.000000e+00 : f32
        %sub3A_734 = vector.broadcast %sub3A_733 : f32 to vector<16xf32>
        %sub3A_735 = arith.subf %sub3A_734, %sub3A_705 : vector<16xf32>
        %mul3A_736 = arith.mulf %sub3A_732, %sub3A_735 : vector<16xf32>
        %mul3A_737 = arith.mulf %sub3A_703, %sub3A_735 : vector<16xf32>
        %mul3A_738 = arith.mulf %sub3A_732, %sub3A_705 : vector<16xf32>
        %mul3A_739 = arith.mulf %sub3A_703, %sub3A_705 : vector<16xf32>
        %shift_left3A_740 = arith.constant 16 : i32
        %shift_left3A_741 = vector.broadcast %shift_left3A_740 : i32 to vector<16xi32>
        %shift_left3A_742 = arith.shli %gather3A_722, %shift_left3A_741 : vector<16xi32>
        %bitcast3A_743 = vector.bitcast %shift_left3A_742 : vector<16xi32> to vector<16xf32>
        %mul3A_744 = arith.mulf %mul3A_736, %bitcast3A_743 : vector<16xf32>
        %shift_left3A_745 = arith.constant 16 : i32
        %shift_left3A_746 = vector.broadcast %shift_left3A_745 : i32 to vector<16xi32>
        %shift_left3A_747 = arith.shli %gather3A_724, %shift_left3A_746 : vector<16xi32>
        %bitcast3A_748 = vector.bitcast %shift_left3A_747 : vector<16xi32> to vector<16xf32>
        %mul3A_749 = arith.mulf %mul3A_737, %bitcast3A_748 : vector<16xf32>
        %add3A_750 = arith.addf %mul3A_744, %mul3A_749 : vector<16xf32>
        %shift_left3A_751 = arith.constant 16 : i32
        %shift_left3A_752 = vector.broadcast %shift_left3A_751 : i32 to vector<16xi32>
        %shift_left3A_753 = arith.shli %gather3A_723, %shift_left3A_752 : vector<16xi32>
        %bitcast3A_754 = vector.bitcast %shift_left3A_753 : vector<16xi32> to vector<16xf32>
        %mul3A_755 = arith.mulf %mul3A_738, %bitcast3A_754 : vector<16xf32>
        %add3A_756 = arith.addf %add3A_750, %mul3A_755 : vector<16xf32>
        %shift_left3A_757 = arith.constant 16 : i32
        %shift_left3A_758 = vector.broadcast %shift_left3A_757 : i32 to vector<16xi32>
        %shift_left3A_759 = arith.shli %gather3A_725, %shift_left3A_758 : vector<16xi32>
        %bitcast3A_760 = vector.bitcast %shift_left3A_759 : vector<16xi32> to vector<16xf32>
        %mul3A_761 = arith.mulf %mul3A_739, %bitcast3A_760 : vector<16xf32>
        %add3A_762 = arith.addf %add3A_756, %mul3A_761 : vector<16xf32>
        %and3A_763 = vector.broadcast %scan3A : i32 to vector<16xi32>
        %and3A_764 = arith.andi %gather3A_722, %and3A_763 : vector<16xi32>
        %bitcast3A_765 = vector.bitcast %and3A_764 : vector<16xi32> to vector<16xf32>
        %mul3A_766 = arith.mulf %mul3A_736, %bitcast3A_765 : vector<16xf32>
        %and3A_767 = vector.broadcast %scan3A : i32 to vector<16xi32>
        %and3A_768 = arith.andi %gather3A_724, %and3A_767 : vector<16xi32>
        %bitcast3A_769 = vector.bitcast %and3A_768 : vector<16xi32> to vector<16xf32>
        %mul3A_770 = arith.mulf %mul3A_737, %bitcast3A_769 : vector<16xf32>
        %add3A_771 = arith.addf %mul3A_766, %mul3A_770 : vector<16xf32>
        %and3A_772 = vector.broadcast %scan3A : i32 to vector<16xi32>
        %and3A_773 = arith.andi %gather3A_723, %and3A_772 : vector<16xi32>
        %bitcast3A_774 = vector.bitcast %and3A_773 : vector<16xi32> to vector<16xf32>
        %mul3A_775 = arith.mulf %mul3A_738, %bitcast3A_774 : vector<16xf32>
        %add3A_776 = arith.addf %add3A_771, %mul3A_775 : vector<16xf32>
        %and3A_777 = vector.broadcast %scan3A : i32 to vector<16xi32>
        %and3A_778 = arith.andi %gather3A_725, %and3A_777 : vector<16xi32>
        %bitcast3A_779 = vector.bitcast %and3A_778 : vector<16xi32> to vector<16xf32>
        %mul3A_780 = arith.mulf %mul3A_739, %bitcast3A_779 : vector<16xf32>
        %add3A_781 = arith.addf %add3A_776, %mul3A_780 : vector<16xf32>
        %mul3A_782 = arith.mulf %mul3A_736, %gather3A_726 : vector<16xf32>
        %mul3A_783 = arith.mulf %mul3A_737, %gather3A_728 : vector<16xf32>
        %add3A_784 = arith.addf %mul3A_782, %mul3A_783 : vector<16xf32>
        %mul3A_785 = arith.mulf %mul3A_738, %gather3A_727 : vector<16xf32>
        %add3A_786 = arith.addf %add3A_784, %mul3A_785 : vector<16xf32>
        %mul3A_787 = arith.mulf %mul3A_739, %gather3A_729 : vector<16xf32>
        %add3A_788 = arith.addf %add3A_786, %mul3A_787 : vector<16xf32>
        %mul3A_789 = arith.constant 16 : i32
        %mul3A_790 = arith.muli %add3A_675, %mul3A_789 : i32
        %add3A_791 = vector.broadcast %mul3A_790 : i32 to vector<16xi32>
        %add3A_792 = arith.addi %add3A_791, %iota3A : vector<16xi32>
        %mul3A_793 = arith.constant 3 : i32
        %mul3A_794 = vector.broadcast %mul3A_793 : i32 to vector<16xi32>
        %mul3A_795 = arith.muli %add3A_792, %mul3A_794 : vector<16xi32>
        tpu.vector_store_idx %arg9[%mul3A_795], %add3A_762 : memref<6144xf32, #tpu.memory_space<vmem>>[vector<16xi32>], vector<16xf32>,
        %add3A_796 = arith.constant 1 : i32
        %add3A_797 = vector.broadcast %add3A_796 : i32 to vector<16xi32>
        %add3A_798 = arith.addi %mul3A_795, %add3A_797 : vector<16xi32>
        tpu.vector_store_idx %arg9[%add3A_798], %add3A_781 : memref<6144xf32, #tpu.memory_space<vmem>>[vector<16xi32>], vector<16xf32>,
        %add3A_799 = arith.constant 2 : i32
        %add3A_800 = vector.broadcast %add3A_799 : i32 to vector<16xi32>
        %add3A_801 = arith.addi %mul3A_795, %add3A_800 : vector<16xi32>
        tpu.vector_store_idx %arg9[%add3A_801], %add3A_788 : memref<6144xf32, #tpu.memory_space<vmem>>[vector<16xi32>], vector<16xf32>,
        %mul3A_802 = arith.constant 8 : i32
        %mul3A_803 = arith.muli %scan3A_27, %mul3A_802 : i32
        %add3A_804 = arith.constant 6 : i32
        %add3A_805 = arith.addi %mul3A_803, %add3A_804 : i32
        %mul3A_806 = arith.constant 16 : i32
        %mul3A_807 = arith.muli %add3A_805, %mul3A_806 : i32
        %add3A_808 = vector.broadcast %mul3A_807 : i32 to vector<16xi32>
        %add3A_809 = arith.addi %add3A_808, %iota3A : vector<16xi32>
        %mul3A_810 = arith.constant 2 : i32
        %mul3A_811 = vector.broadcast %mul3A_810 : i32 to vector<16xi32>
        %mul3A_812 = arith.muli %add3A_809, %mul3A_811 : vector<16xi32>
        %gather3A_813 = tpu.vector_load_idx %arg8[%mul3A_812] : memref<4096xf32, #tpu.memory_space<vmem>>[vector<16xi32>], vector<16xf32>,
        %add3A_814 = arith.constant 1 : i32
        %add3A_815 = vector.broadcast %add3A_814 : i32 to vector<16xi32>
        %add3A_816 = arith.addi %mul3A_812, %add3A_815 : vector<16xi32>
        %gather3A_817 = tpu.vector_load_idx %arg8[%add3A_816] : memref<4096xf32, #tpu.memory_space<vmem>>[vector<16xi32>], vector<16xf32>,
        %mul3A_818 = arith.constant 2.550000e+02 : f32
        %mul3A_819 = vector.broadcast %mul3A_818 : f32 to vector<16xf32>
        %mul3A_820 = arith.mulf %gather3A_813, %mul3A_819 : vector<16xf32>
        %mul3A_821 = arith.constant 1.910000e+02 : f32
        %mul3A_822 = vector.broadcast %mul3A_821 : f32 to vector<16xf32>
        %mul3A_823 = arith.mulf %gather3A_817, %mul3A_822 : vector<16xf32>
        %convert_element_type3A_824 = arith.fptosi %mul3A_820 : vector<16xf32> to vector<16xi32>
        %min3A_825 = arith.constant 254 : i32
        %min3A_826 = vector.broadcast %min3A_825 : i32 to vector<16xi32>
        %min3A_827 = arith.minsi %convert_element_type3A_824, %min3A_826 : vector<16xi32>
        %convert_element_type3A_828 = arith.fptosi %mul3A_823 : vector<16xf32> to vector<16xi32>
        %min3A_829 = arith.constant 190 : i32
        %min3A_830 = vector.broadcast %min3A_829 : i32 to vector<16xi32>
        %min3A_831 = arith.minsi %convert_element_type3A_828, %min3A_830 : vector<16xi32>
        %convert_element_type3A_832 = arith.sitofp %min3A_827 : vector<16xi32> to vector<16xf32>
        %sub3A_833 = arith.subf %mul3A_820, %convert_element_type3A_832 : vector<16xf32>
        %convert_element_type3A_834 = arith.sitofp %min3A_831 : vector<16xi32> to vector<16xf32>
        %sub3A_835 = arith.subf %mul3A_823, %convert_element_type3A_834 : vector<16xf32>
        %mul3A_836 = arith.constant 192 : i32
        %mul3A_837 = vector.broadcast %mul3A_836 : i32 to vector<16xi32>
        %mul3A_838 = arith.muli %min3A_827, %mul3A_837 : vector<16xi32>
        %add3A_839 = arith.addi %mul3A_838, %min3A_831 : vector<16xi32>
        %add3A_840 = arith.constant 1 : i32
        %add3A_841 = vector.broadcast %add3A_840 : i32 to vector<16xi32>
        %add3A_842 = arith.addi %add3A_839, %add3A_841 : vector<16xi32>
        %add3A_843 = arith.constant 192 : i32
        %add3A_844 = vector.broadcast %add3A_843 : i32 to vector<16xi32>
        %add3A_845 = arith.addi %add3A_839, %add3A_844 : vector<16xi32>
        %add3A_846 = arith.constant 192 : i32
        %add3A_847 = vector.broadcast %add3A_846 : i32 to vector<16xi32>
        %add3A_848 = arith.addi %add3A_839, %add3A_847 : vector<16xi32>
        %add3A_849 = arith.constant 1 : i32
        %add3A_850 = vector.broadcast %add3A_849 : i32 to vector<16xi32>
        %add3A_851 = arith.addi %add3A_848, %add3A_850 : vector<16xi32>
        %gather3A_852 = tpu.vector_load_idx %arg6[%add3A_839] : memref<49152xi32, #tpu.memory_space<vmem>>[vector<16xi32>], vector<16xi32>,
        %gather3A_853 = tpu.vector_load_idx %arg6[%add3A_842] : memref<49152xi32, #tpu.memory_space<vmem>>[vector<16xi32>], vector<16xi32>,
        %gather3A_854 = tpu.vector_load_idx %arg6[%add3A_845] : memref<49152xi32, #tpu.memory_space<vmem>>[vector<16xi32>], vector<16xi32>,
        %gather3A_855 = tpu.vector_load_idx %arg6[%add3A_851] : memref<49152xi32, #tpu.memory_space<vmem>>[vector<16xi32>], vector<16xi32>,
        %gather3A_856 = tpu.vector_load_idx %arg7[%add3A_839] : memref<49152xf32, #tpu.memory_space<vmem>>[vector<16xi32>], vector<16xf32>,
        %gather3A_857 = tpu.vector_load_idx %arg7[%add3A_842] : memref<49152xf32, #tpu.memory_space<vmem>>[vector<16xi32>], vector<16xf32>,
        %gather3A_858 = tpu.vector_load_idx %arg7[%add3A_845] : memref<49152xf32, #tpu.memory_space<vmem>>[vector<16xi32>], vector<16xf32>,
        %gather3A_859 = tpu.vector_load_idx %arg7[%add3A_851] : memref<49152xf32, #tpu.memory_space<vmem>>[vector<16xi32>], vector<16xf32>,
        %sub3A_860 = arith.constant 1.000000e+00 : f32
        %sub3A_861 = vector.broadcast %sub3A_860 : f32 to vector<16xf32>
        %sub3A_862 = arith.subf %sub3A_861, %sub3A_833 : vector<16xf32>
        %sub3A_863 = arith.constant 1.000000e+00 : f32
        %sub3A_864 = vector.broadcast %sub3A_863 : f32 to vector<16xf32>
        %sub3A_865 = arith.subf %sub3A_864, %sub3A_835 : vector<16xf32>
        %mul3A_866 = arith.mulf %sub3A_862, %sub3A_865 : vector<16xf32>
        %mul3A_867 = arith.mulf %sub3A_833, %sub3A_865 : vector<16xf32>
        %mul3A_868 = arith.mulf %sub3A_862, %sub3A_835 : vector<16xf32>
        %mul3A_869 = arith.mulf %sub3A_833, %sub3A_835 : vector<16xf32>
        %shift_left3A_870 = arith.constant 16 : i32
        %shift_left3A_871 = vector.broadcast %shift_left3A_870 : i32 to vector<16xi32>
        %shift_left3A_872 = arith.shli %gather3A_852, %shift_left3A_871 : vector<16xi32>
        %bitcast3A_873 = vector.bitcast %shift_left3A_872 : vector<16xi32> to vector<16xf32>
        %mul3A_874 = arith.mulf %mul3A_866, %bitcast3A_873 : vector<16xf32>
        %shift_left3A_875 = arith.constant 16 : i32
        %shift_left3A_876 = vector.broadcast %shift_left3A_875 : i32 to vector<16xi32>
        %shift_left3A_877 = arith.shli %gather3A_854, %shift_left3A_876 : vector<16xi32>
        %bitcast3A_878 = vector.bitcast %shift_left3A_877 : vector<16xi32> to vector<16xf32>
        %mul3A_879 = arith.mulf %mul3A_867, %bitcast3A_878 : vector<16xf32>
        %add3A_880 = arith.addf %mul3A_874, %mul3A_879 : vector<16xf32>
        %shift_left3A_881 = arith.constant 16 : i32
        %shift_left3A_882 = vector.broadcast %shift_left3A_881 : i32 to vector<16xi32>
        %shift_left3A_883 = arith.shli %gather3A_853, %shift_left3A_882 : vector<16xi32>
        %bitcast3A_884 = vector.bitcast %shift_left3A_883 : vector<16xi32> to vector<16xf32>
        %mul3A_885 = arith.mulf %mul3A_868, %bitcast3A_884 : vector<16xf32>
        %add3A_886 = arith.addf %add3A_880, %mul3A_885 : vector<16xf32>
        %shift_left3A_887 = arith.constant 16 : i32
        %shift_left3A_888 = vector.broadcast %shift_left3A_887 : i32 to vector<16xi32>
        %shift_left3A_889 = arith.shli %gather3A_855, %shift_left3A_888 : vector<16xi32>
        %bitcast3A_890 = vector.bitcast %shift_left3A_889 : vector<16xi32> to vector<16xf32>
        %mul3A_891 = arith.mulf %mul3A_869, %bitcast3A_890 : vector<16xf32>
        %add3A_892 = arith.addf %add3A_886, %mul3A_891 : vector<16xf32>
        %and3A_893 = vector.broadcast %scan3A : i32 to vector<16xi32>
        %and3A_894 = arith.andi %gather3A_852, %and3A_893 : vector<16xi32>
        %bitcast3A_895 = vector.bitcast %and3A_894 : vector<16xi32> to vector<16xf32>
        %mul3A_896 = arith.mulf %mul3A_866, %bitcast3A_895 : vector<16xf32>
        %and3A_897 = vector.broadcast %scan3A : i32 to vector<16xi32>
        %and3A_898 = arith.andi %gather3A_854, %and3A_897 : vector<16xi32>
        %bitcast3A_899 = vector.bitcast %and3A_898 : vector<16xi32> to vector<16xf32>
        %mul3A_900 = arith.mulf %mul3A_867, %bitcast3A_899 : vector<16xf32>
        %add3A_901 = arith.addf %mul3A_896, %mul3A_900 : vector<16xf32>
        %and3A_902 = vector.broadcast %scan3A : i32 to vector<16xi32>
        %and3A_903 = arith.andi %gather3A_853, %and3A_902 : vector<16xi32>
        %bitcast3A_904 = vector.bitcast %and3A_903 : vector<16xi32> to vector<16xf32>
        %mul3A_905 = arith.mulf %mul3A_868, %bitcast3A_904 : vector<16xf32>
        %add3A_906 = arith.addf %add3A_901, %mul3A_905 : vector<16xf32>
        %and3A_907 = vector.broadcast %scan3A : i32 to vector<16xi32>
        %and3A_908 = arith.andi %gather3A_855, %and3A_907 : vector<16xi32>
        %bitcast3A_909 = vector.bitcast %and3A_908 : vector<16xi32> to vector<16xf32>
        %mul3A_910 = arith.mulf %mul3A_869, %bitcast3A_909 : vector<16xf32>
        %add3A_911 = arith.addf %add3A_906, %mul3A_910 : vector<16xf32>
        %mul3A_912 = arith.mulf %mul3A_866, %gather3A_856 : vector<16xf32>
        %mul3A_913 = arith.mulf %mul3A_867, %gather3A_858 : vector<16xf32>
        %add3A_914 = arith.addf %mul3A_912, %mul3A_913 : vector<16xf32>
        %mul3A_915 = arith.mulf %mul3A_868, %gather3A_857 : vector<16xf32>
        %add3A_916 = arith.addf %add3A_914, %mul3A_915 : vector<16xf32>
        %mul3A_917 = arith.mulf %mul3A_869, %gather3A_859 : vector<16xf32>
        %add3A_918 = arith.addf %add3A_916, %mul3A_917 : vector<16xf32>
        %mul3A_919 = arith.constant 16 : i32
        %mul3A_920 = arith.muli %add3A_805, %mul3A_919 : i32
        %add3A_921 = vector.broadcast %mul3A_920 : i32 to vector<16xi32>
        %add3A_922 = arith.addi %add3A_921, %iota3A : vector<16xi32>
        %mul3A_923 = arith.constant 3 : i32
        %mul3A_924 = vector.broadcast %mul3A_923 : i32 to vector<16xi32>
        %mul3A_925 = arith.muli %add3A_922, %mul3A_924 : vector<16xi32>
        tpu.vector_store_idx %arg9[%mul3A_925], %add3A_892 : memref<6144xf32, #tpu.memory_space<vmem>>[vector<16xi32>], vector<16xf32>,
        %add3A_926 = arith.constant 1 : i32
        %add3A_927 = vector.broadcast %add3A_926 : i32 to vector<16xi32>
        %add3A_928 = arith.addi %mul3A_925, %add3A_927 : vector<16xi32>
        tpu.vector_store_idx %arg9[%add3A_928], %add3A_911 : memref<6144xf32, #tpu.memory_space<vmem>>[vector<16xi32>], vector<16xf32>,
        %add3A_929 = arith.constant 2 : i32
        %add3A_930 = vector.broadcast %add3A_929 : i32 to vector<16xi32>
        %add3A_931 = arith.addi %mul3A_925, %add3A_930 : vector<16xi32>
        tpu.vector_store_idx %arg9[%add3A_931], %add3A_918 : memref<6144xf32, #tpu.memory_space<vmem>>[vector<16xi32>], vector<16xf32>,
        %mul3A_932 = arith.constant 8 : i32
        %mul3A_933 = arith.muli %scan3A_27, %mul3A_932 : i32
        %add3A_934 = arith.constant 7 : i32
        %add3A_935 = arith.addi %mul3A_933, %add3A_934 : i32
        %mul3A_936 = arith.constant 16 : i32
        %mul3A_937 = arith.muli %add3A_935, %mul3A_936 : i32
        %add3A_938 = vector.broadcast %mul3A_937 : i32 to vector<16xi32>
        %add3A_939 = arith.addi %add3A_938, %iota3A : vector<16xi32>
        %mul3A_940 = arith.constant 2 : i32
        %mul3A_941 = vector.broadcast %mul3A_940 : i32 to vector<16xi32>
        %mul3A_942 = arith.muli %add3A_939, %mul3A_941 : vector<16xi32>
        %gather3A_943 = tpu.vector_load_idx %arg8[%mul3A_942] : memref<4096xf32, #tpu.memory_space<vmem>>[vector<16xi32>], vector<16xf32>,
        %add3A_944 = arith.constant 1 : i32
        %add3A_945 = vector.broadcast %add3A_944 : i32 to vector<16xi32>
        %add3A_946 = arith.addi %mul3A_942, %add3A_945 : vector<16xi32>
        %gather3A_947 = tpu.vector_load_idx %arg8[%add3A_946] : memref<4096xf32, #tpu.memory_space<vmem>>[vector<16xi32>], vector<16xf32>,
        %mul3A_948 = arith.constant 2.550000e+02 : f32
        %mul3A_949 = vector.broadcast %mul3A_948 : f32 to vector<16xf32>
        %mul3A_950 = arith.mulf %gather3A_943, %mul3A_949 : vector<16xf32>
        %mul3A_951 = arith.constant 1.910000e+02 : f32
        %mul3A_952 = vector.broadcast %mul3A_951 : f32 to vector<16xf32>
        %mul3A_953 = arith.mulf %gather3A_947, %mul3A_952 : vector<16xf32>
        %convert_element_type3A_954 = arith.fptosi %mul3A_950 : vector<16xf32> to vector<16xi32>
        %min3A_955 = arith.constant 254 : i32
        %min3A_956 = vector.broadcast %min3A_955 : i32 to vector<16xi32>
        %min3A_957 = arith.minsi %convert_element_type3A_954, %min3A_956 : vector<16xi32>
        %convert_element_type3A_958 = arith.fptosi %mul3A_953 : vector<16xf32> to vector<16xi32>
        %min3A_959 = arith.constant 190 : i32
        %min3A_960 = vector.broadcast %min3A_959 : i32 to vector<16xi32>
        %min3A_961 = arith.minsi %convert_element_type3A_958, %min3A_960 : vector<16xi32>
        %convert_element_type3A_962 = arith.sitofp %min3A_957 : vector<16xi32> to vector<16xf32>
        %sub3A_963 = arith.subf %mul3A_950, %convert_element_type3A_962 : vector<16xf32>
        %convert_element_type3A_964 = arith.sitofp %min3A_961 : vector<16xi32> to vector<16xf32>
        %sub3A_965 = arith.subf %mul3A_953, %convert_element_type3A_964 : vector<16xf32>
        %mul3A_966 = arith.constant 192 : i32
        %mul3A_967 = vector.broadcast %mul3A_966 : i32 to vector<16xi32>
        %mul3A_968 = arith.muli %min3A_957, %mul3A_967 : vector<16xi32>
        %add3A_969 = arith.addi %mul3A_968, %min3A_961 : vector<16xi32>
        %add3A_970 = arith.constant 1 : i32
        %add3A_971 = vector.broadcast %add3A_970 : i32 to vector<16xi32>
        %add3A_972 = arith.addi %add3A_969, %add3A_971 : vector<16xi32>
        %add3A_973 = arith.constant 192 : i32
        %add3A_974 = vector.broadcast %add3A_973 : i32 to vector<16xi32>
        %add3A_975 = arith.addi %add3A_969, %add3A_974 : vector<16xi32>
        %add3A_976 = arith.constant 192 : i32
        %add3A_977 = vector.broadcast %add3A_976 : i32 to vector<16xi32>
        %add3A_978 = arith.addi %add3A_969, %add3A_977 : vector<16xi32>
        %add3A_979 = arith.constant 1 : i32
        %add3A_980 = vector.broadcast %add3A_979 : i32 to vector<16xi32>
        %add3A_981 = arith.addi %add3A_978, %add3A_980 : vector<16xi32>
        %gather3A_982 = tpu.vector_load_idx %arg6[%add3A_969] : memref<49152xi32, #tpu.memory_space<vmem>>[vector<16xi32>], vector<16xi32>,
        %gather3A_983 = tpu.vector_load_idx %arg6[%add3A_972] : memref<49152xi32, #tpu.memory_space<vmem>>[vector<16xi32>], vector<16xi32>,
        %gather3A_984 = tpu.vector_load_idx %arg6[%add3A_975] : memref<49152xi32, #tpu.memory_space<vmem>>[vector<16xi32>], vector<16xi32>,
        %gather3A_985 = tpu.vector_load_idx %arg6[%add3A_981] : memref<49152xi32, #tpu.memory_space<vmem>>[vector<16xi32>], vector<16xi32>,
        %gather3A_986 = tpu.vector_load_idx %arg7[%add3A_969] : memref<49152xf32, #tpu.memory_space<vmem>>[vector<16xi32>], vector<16xf32>,
        %gather3A_987 = tpu.vector_load_idx %arg7[%add3A_972] : memref<49152xf32, #tpu.memory_space<vmem>>[vector<16xi32>], vector<16xf32>,
        %gather3A_988 = tpu.vector_load_idx %arg7[%add3A_975] : memref<49152xf32, #tpu.memory_space<vmem>>[vector<16xi32>], vector<16xf32>,
        %gather3A_989 = tpu.vector_load_idx %arg7[%add3A_981] : memref<49152xf32, #tpu.memory_space<vmem>>[vector<16xi32>], vector<16xf32>,
        %sub3A_990 = arith.constant 1.000000e+00 : f32
        %sub3A_991 = vector.broadcast %sub3A_990 : f32 to vector<16xf32>
        %sub3A_992 = arith.subf %sub3A_991, %sub3A_963 : vector<16xf32>
        %sub3A_993 = arith.constant 1.000000e+00 : f32
        %sub3A_994 = vector.broadcast %sub3A_993 : f32 to vector<16xf32>
        %sub3A_995 = arith.subf %sub3A_994, %sub3A_965 : vector<16xf32>
        %mul3A_996 = arith.mulf %sub3A_992, %sub3A_995 : vector<16xf32>
        %mul3A_997 = arith.mulf %sub3A_963, %sub3A_995 : vector<16xf32>
        %mul3A_998 = arith.mulf %sub3A_992, %sub3A_965 : vector<16xf32>
        %mul3A_999 = arith.mulf %sub3A_963, %sub3A_965 : vector<16xf32>
        %shift_left3A_1000 = arith.constant 16 : i32
        %shift_left3A_1001 = vector.broadcast %shift_left3A_1000 : i32 to vector<16xi32>
        %shift_left3A_1002 = arith.shli %gather3A_982, %shift_left3A_1001 : vector<16xi32>
        %bitcast3A_1003 = vector.bitcast %shift_left3A_1002 : vector<16xi32> to vector<16xf32>
        %mul3A_1004 = arith.mulf %mul3A_996, %bitcast3A_1003 : vector<16xf32>
        %shift_left3A_1005 = arith.constant 16 : i32
        %shift_left3A_1006 = vector.broadcast %shift_left3A_1005 : i32 to vector<16xi32>
        %shift_left3A_1007 = arith.shli %gather3A_984, %shift_left3A_1006 : vector<16xi32>
        %bitcast3A_1008 = vector.bitcast %shift_left3A_1007 : vector<16xi32> to vector<16xf32>
        %mul3A_1009 = arith.mulf %mul3A_997, %bitcast3A_1008 : vector<16xf32>
        %add3A_1010 = arith.addf %mul3A_1004, %mul3A_1009 : vector<16xf32>
        %shift_left3A_1011 = arith.constant 16 : i32
        %shift_left3A_1012 = vector.broadcast %shift_left3A_1011 : i32 to vector<16xi32>
        %shift_left3A_1013 = arith.shli %gather3A_983, %shift_left3A_1012 : vector<16xi32>
        %bitcast3A_1014 = vector.bitcast %shift_left3A_1013 : vector<16xi32> to vector<16xf32>
        %mul3A_1015 = arith.mulf %mul3A_998, %bitcast3A_1014 : vector<16xf32>
        %add3A_1016 = arith.addf %add3A_1010, %mul3A_1015 : vector<16xf32>
        %shift_left3A_1017 = arith.constant 16 : i32
        %shift_left3A_1018 = vector.broadcast %shift_left3A_1017 : i32 to vector<16xi32>
        %shift_left3A_1019 = arith.shli %gather3A_985, %shift_left3A_1018 : vector<16xi32>
        %bitcast3A_1020 = vector.bitcast %shift_left3A_1019 : vector<16xi32> to vector<16xf32>
        %mul3A_1021 = arith.mulf %mul3A_999, %bitcast3A_1020 : vector<16xf32>
        %add3A_1022 = arith.addf %add3A_1016, %mul3A_1021 : vector<16xf32>
        %and3A_1023 = vector.broadcast %scan3A : i32 to vector<16xi32>
        %and3A_1024 = arith.andi %gather3A_982, %and3A_1023 : vector<16xi32>
        %bitcast3A_1025 = vector.bitcast %and3A_1024 : vector<16xi32> to vector<16xf32>
        %mul3A_1026 = arith.mulf %mul3A_996, %bitcast3A_1025 : vector<16xf32>
        %and3A_1027 = vector.broadcast %scan3A : i32 to vector<16xi32>
        %and3A_1028 = arith.andi %gather3A_984, %and3A_1027 : vector<16xi32>
        %bitcast3A_1029 = vector.bitcast %and3A_1028 : vector<16xi32> to vector<16xf32>
        %mul3A_1030 = arith.mulf %mul3A_997, %bitcast3A_1029 : vector<16xf32>
        %add3A_1031 = arith.addf %mul3A_1026, %mul3A_1030 : vector<16xf32>
        %and3A_1032 = vector.broadcast %scan3A : i32 to vector<16xi32>
        %and3A_1033 = arith.andi %gather3A_983, %and3A_1032 : vector<16xi32>
        %bitcast3A_1034 = vector.bitcast %and3A_1033 : vector<16xi32> to vector<16xf32>
        %mul3A_1035 = arith.mulf %mul3A_998, %bitcast3A_1034 : vector<16xf32>
        %add3A_1036 = arith.addf %add3A_1031, %mul3A_1035 : vector<16xf32>
        %and3A_1037 = vector.broadcast %scan3A : i32 to vector<16xi32>
        %and3A_1038 = arith.andi %gather3A_985, %and3A_1037 : vector<16xi32>
        %bitcast3A_1039 = vector.bitcast %and3A_1038 : vector<16xi32> to vector<16xf32>
        %mul3A_1040 = arith.mulf %mul3A_999, %bitcast3A_1039 : vector<16xf32>
        %add3A_1041 = arith.addf %add3A_1036, %mul3A_1040 : vector<16xf32>
        %mul3A_1042 = arith.mulf %mul3A_996, %gather3A_986 : vector<16xf32>
        %mul3A_1043 = arith.mulf %mul3A_997, %gather3A_988 : vector<16xf32>
        %add3A_1044 = arith.addf %mul3A_1042, %mul3A_1043 : vector<16xf32>
        %mul3A_1045 = arith.mulf %mul3A_998, %gather3A_987 : vector<16xf32>
        %add3A_1046 = arith.addf %add3A_1044, %mul3A_1045 : vector<16xf32>
        %mul3A_1047 = arith.mulf %mul3A_999, %gather3A_989 : vector<16xf32>
        %add3A_1048 = arith.addf %add3A_1046, %mul3A_1047 : vector<16xf32>
        %mul3A_1049 = arith.constant 16 : i32
        %mul3A_1050 = arith.muli %add3A_935, %mul3A_1049 : i32
        %add3A_1051 = vector.broadcast %mul3A_1050 : i32 to vector<16xi32>
        %add3A_1052 = arith.addi %add3A_1051, %iota3A : vector<16xi32>
        %mul3A_1053 = arith.constant 3 : i32
        %mul3A_1054 = vector.broadcast %mul3A_1053 : i32 to vector<16xi32>
        %mul3A_1055 = arith.muli %add3A_1052, %mul3A_1054 : vector<16xi32>
        tpu.vector_store_idx %arg9[%mul3A_1055], %add3A_1022 : memref<6144xf32, #tpu.memory_space<vmem>>[vector<16xi32>], vector<16xf32>,
        %add3A_1056 = arith.constant 1 : i32
        %add3A_1057 = vector.broadcast %add3A_1056 : i32 to vector<16xi32>
        %add3A_1058 = arith.addi %mul3A_1055, %add3A_1057 : vector<16xi32>
        tpu.vector_store_idx %arg9[%add3A_1058], %add3A_1041 : memref<6144xf32, #tpu.memory_space<vmem>>[vector<16xi32>], vector<16xf32>,
        %add3A_1059 = arith.constant 2 : i32
        %add3A_1060 = vector.broadcast %add3A_1059 : i32 to vector<16xi32>
        %add3A_1061 = arith.addi %mul3A_1055, %add3A_1060 : vector<16xi32>
        tpu.vector_store_idx %arg9[%add3A_1061], %add3A_1048 : memref<6144xf32, #tpu.memory_space<vmem>>[vector<16xi32>], vector<16xf32>,
        %scan3A_1062 = arith.constant 0 : i32
        scf.yield %scan3A_1062 : i32
      }
      %scan3A_23 = arith.constant 16 : i32
      %mul3A_24 = arith.constant 3 : i32
      %mul3A_25 = arith.muli %add3A_14, %mul3A_24 : i32
      "tpu.region"() ({
        %run_scoped3A = tpu.sem_alloc : memref<!tpu.dma_semaphore, #tpu.memory_space<semaphore_mem>>
        %dma_start3A = tpu.memref_slice %arg5[%mul3A_25] : memref<3145728xf32, #tpu.memory_space<hbm>> -> memref<6144xf32, #tpu.memory_space<hbm>>
        %dma_start3A_27 = tpu.memref_slice %arg5[%mul3A_25] : memref<3145728xf32, #tpu.memory_space<hbm>> -> memref<6144xf32, #tpu.memory_space<hbm>>
        tpu.enqueue_dma source(%arg9 : memref<6144xf32, #tpu.memory_space<vmem>>) target(%dma_start3A_27 : memref<6144xf32, #tpu.memory_space<hbm>>) target_semaphore(%run_scoped3A : memref<!tpu.dma_semaphore, #tpu.memory_space<semaphore_mem>>)
        %dma_wait3A = tpu.memref_slice %arg5[%mul3A_25] : memref<3145728xf32, #tpu.memory_space<hbm>> -> memref<6144xf32, #tpu.memory_space<hbm>>
        %dma_wait3A_28 = tpu.memref_slice %arg5[%mul3A_25] : memref<3145728xf32, #tpu.memory_space<hbm>> -> memref<6144xf32, #tpu.memory_space<hbm>>
        tpu.wait_dma2 semaphore(%run_scoped3A : memref<!tpu.dma_semaphore, #tpu.memory_space<semaphore_mem>>) src(%arg9 : memref<6144xf32, #tpu.memory_space<vmem>>) dst(%dma_wait3A_28 : memref<6144xf32, #tpu.memory_space<hbm>>)
        tpu.yield
      }) : () -> ()
      %scan3A_26 = arith.constant 0 : i32
      scf.yield %scan3A_26 : i32
    }
    %scan3A_9 = arith.constant 16 : i32
    return
  }
}

module attributes {stable_mosaic.version = 14 : i64} {
  func.func @_proj_body(%arg0: i32, %arg1: memref<32x192x64xf32, #tpu.memory_space<vmem>>, %arg2: memref<64x8xf32, #tpu.memory_space<vmem>>, %arg3: memref<1x8xf32, #tpu.memory_space<vmem>>, %arg4: memref<6144x8xf32, #tpu.memory_space<vmem>>) attributes {dimension_semantics = [#tpu.dimension_semantics<arbitrary>], iteration_bounds = array<i64: 8>, scalar_prefetch = 0 : i64, scratch_operands = 0 : i64, tpu.core_type = #tpu.core_type<tc>, window_params = [{transform_indices = @transform_0, window_bounds = array<i64: 32, 192, 64>}, {pipeline_mode = #tpu.pipeline_mode<synchronous>, transform_indices = @transform_1, window_bounds = array<i64: 64, 8>}, {pipeline_mode = #tpu.pipeline_mode<synchronous>, transform_indices = @transform_2, window_bounds = array<i64: 1, 8>}, {transform_indices = @transform_3, window_bounds = array<i64: 6144, 8>}]} {
    %get3A = arith.constant 0 : index
    %get3A_0 = arith.constant 0 : index
    %get3A_1 = arith.constant 0 : index
    %get3A_2 = vector.load %arg1[%get3A, %get3A_0, %get3A_1] : memref<32x192x64xf32, #tpu.memory_space<vmem>>, vector<32x192x64xf32>
    %reshape3A = vector.shape_cast %get3A_2 : vector<32x192x64xf32> to vector<6144x64xf32>
    %get3A_3 = arith.constant 0 : index
    %get3A_4 = arith.constant 0 : index
    %get3A_5 = vector.load %arg2[%get3A_3, %get3A_4] : memref<64x8xf32, #tpu.memory_space<vmem>>, vector<64x8xf32>
    %dot_general3A = arith.constant dense<0.000000e+00> : vector<6144x8xf32>
    %dot_general3A_6 = tpu.matmul %reshape3A, %get3A_5, %dot_general3A {dimension_numbers = #tpu.dot_dimension_numbers<[1], [0], [0], [1], [0, 0, 1, 1], [], []>, transpose_lhs_hint = false} : vector<6144x64xf32>, vector<64x8xf32>, vector<6144x8xf32> -> vector<6144x8xf32>
    %get3A_7 = arith.constant 0 : index
    %get3A_8 = arith.constant 0 : index
    %get3A_9 = vector.load %arg3[%get3A_7, %get3A_8] : memref<1x8xf32, #tpu.memory_space<vmem>>, vector<1x8xf32>
    %add3A = vector.broadcast %get3A_9 : vector<1x8xf32> to vector<6144x8xf32>
    %add3A_10 = arith.addf %dot_general3A_6, %add3A : vector<6144x8xf32>
    %swap3A = arith.constant 0 : index
    %swap3A_11 = arith.constant 0 : index
    %swap3A_12 = vector.load %arg4[%swap3A, %swap3A_11] : memref<6144x8xf32, #tpu.memory_space<vmem>>, vector<6144x8xf32>
    tpu.vector_store %arg4[%swap3A, %swap3A_11], %add3A_10 {strides = array<i32>} : memref<6144x8xf32, #tpu.memory_space<vmem>>, vector<6144x8xf32>,
    return
  }
  func.func @transform_0(%arg0: i32) -> (i32, i32, i32) {
    %c0_i32 = arith.constant 0 : i32
    %c0_i32_0 = arith.constant 0 : i32
    %c0_i32_1 = arith.constant 0 : i32
    return %arg0, %c0_i32, %c0_i32_0 : i32, i32, i32
  }
  func.func @transform_1(%arg0: i32) -> (i32, i32) {
    %c0_i32 = arith.constant 0 : i32
    %c0_i32_0 = arith.constant 0 : i32
    %c0_i32_1 = arith.constant 0 : i32
    return %c0_i32, %c0_i32_0 : i32, i32
  }
  func.func @transform_2(%arg0: i32) -> (i32, i32) {
    %c0_i32 = arith.constant 0 : i32
    %c0_i32_0 = arith.constant 0 : i32
    %c0_i32_1 = arith.constant 0 : i32
    return %c0_i32, %c0_i32_0 : i32, i32
  }
  func.func @transform_3(%arg0: i32) -> (i32, i32) {
    %c0_i32 = arith.constant 0 : i32
    %c0_i32_0 = arith.constant 0 : i32
    return %arg0, %c0_i32 : i32, i32
  }
}

</mosaic_0001>

<sc_bundles>
// kernel: kernel.4.cloned.1.call-start
scs
__scs_entry_jumppad:
0x0: {  	(pc) =	sbr.rel $0x88, $3  }
0x1: {  	(tag) =	ssettag $0x0;
	lr =	simm.s32 $0x1  }
0x2: {  	[smem:$0x3F9D] =	sst lr;
	_ =	strace $0xD0000000  }
0x3: {  	_ = 	snop  }
0x4: {  	_ = 	snop  }
0x5: {  	_ = 	snop  }
0x6: {  	_ = 	snop  }
0x7: {  	_ = 	snop  }
__scs_overlays_trampoline_lowered:
0x8: {  	[smem:$0x3FAC] =	sst s0  }
0x9: {  	[smem:$0x3FAD] =	sst s1  }
0xa: {  	[smem:$0x3FAE] =	sst s2  }
0xb: {  	[smem:$0x3FAF] =	sst s3  }
0xc: {  	[smem:$0x3FB0] =	sst s4  }
0xd: {  	[smem:$0x3FB1] =	sst s5  }
0xe: {  	[smem:$0x3FB2] =	sst s6  }
0xf: {  	[smem:$0x3FB3] =	sst s7  }
0x10: {  	[smem:$0x3FB4] =	sst s8  }
0x11: {  	[smem:$0x3FB5] =	sst s9;
	s0 =	simm.s32 @!p0 $0x0  }
0x12: {  	s1 =	sld [smem:$0x3F9B];
	s0 =	simm.s32 @p0 $0x1  }
0x13: {  	[smem:$0x3FB6] =	sst s0;
	s0 =	simm.s32 @!p1 $0x0  }
0x14: {  	s2 =	sld [smem:$0x3F9A];
	s0 =	simm.s32 @p1 $0x1  }
0x15: {  	[smem:$0x3FB7] =	sst s0;
	s0 =	simm.s32 @!p2 $0x0  }
0x16: {  	s3 =	sld [smem:$0x3FDB];
	s0 =	simm.s32 @p2 $0x1  }
0x17: {  	s4 =	simm.s32 $0x1BF5;
	[smem:$0x3FB9] =	sst s0  }
0x18: {  	s0 =	sld [smem:$0x3F9C];
	_ =	swait.ge [sflag:s4], $0x0  }
0x19: {  	s7 =	sld [smem:$0x3F9D]  }
0x1a: {  	s8 =	sadd.s32 $0xFFFFE003, lr  }
0x1b: {  	s9 =	sadd.s32 $0xFFFFFEF7, lr;
	s5 =	simm.s32 $0xFFFFFFFF;
	p2 =	slt.u32 s8, $0xFFFFF086  }
0x1c: {  	p1 =	slt.u32 s9, $0xF7A;
	s5 =	simm.s32 @!p2 $0x0  }
0x1d: {  	s5 =	simm.s32 @p1 $0x1;
	p0 =	seq.s32 s7, s2  }
0x1e: {  	s7 =	smul.u32 @!p0 $0xF7A, s2;
	p2 =	seq.s32 @!p0 s5, $0x0  }
0x1f: {  	s9 =	smul.u32 $0xF7A, s1;
	s8 =	simm.s32 @!p0 $0x1BF5;
	p2 =	por !p2, p0  }
0x20: {  	[sflag:s8] =	ssyncset.s32 @!p0 $0xFFFFF086;
	s6 =	sadd.s32 @!p0 s3, s7;
	s7 =	simm.s32 @!p0 $0x108  }
0x21: {  	s3 =	sadd.s32 s3, s9;
	s6 =	sadd.s32 @!p0 $0x88, s6;
	s7 =	simm.s32 @p2 $0x1082  }
0x22: {  	[simem:s7], [sflag:s8] =	dma.local @!p0 [hbm:s6], $0xF7A  }
0x23: {  	s9 =	sor.u32 $0xD0000000, s2;
	s6 =	simm.s32 $0x108;
	_ =	swait.ge @!p0 [sflag:s8], $0x0  }
0x24: {  	s3 =	sadd.s32 $0x88, s3;
	s6 =	simm.s32 @!p1 $0x1082;
	[sflag:s4] =	ssyncset.s32 $0xFFFFF086  }
0x25: {  	[simem:s6], [sflag:s4] =	dma.local [hbm:s3], $0xF7A  }
0x26: {  	[smem:$0x3F9D] =	sst s1;
	(tag) =	ssettag s2;
	_ =	strace s9  }
0x27: {  	s1 =	sld [smem:$0x3FAD]  }
0x28: {  	s2 =	sld [smem:$0x3FAE]  }
0x29: {  	s4 =	sld [smem:$0x3FB0]  }
0x2a: {  	p0 =	seq.s32 s5, $0x0;
	s5 =	sld [smem:$0x3FB1]  }
0x2b: {  	s6 =	sld [smem:$0x3FB2]  }
0x2c: {  	s7 =	sld [smem:$0x3FB3]  }
0x2d: {  	s3 =	simm.s32 $0x108;
	s8 =	sld [smem:$0x3FB4]  }
0x2e: {  	s3 =	simm.s32 @!p0 $0x1082;
	s9 =	sld [smem:$0x3FB5]  }
0x2f: {  	lr =	sadd.s32 s0, s3;
	s0 =	sld [smem:$0x3FAC]  }
0x30: {  	s3 =	sld [smem:$0x3FAF]  }
0x31: {  	[smem:$0x3FB8] =	sst s10  }
0x32: {  	s10 =	sld [smem:$0x3FB6];
	_ =	sdelay $0x3  }
0x33: {  	p0 =	seq.s32 s10, $0x1;
	s10 =	sld [smem:$0x3FB8];
	_ =	sdelay $0x3  }
0x34: {  	[smem:$0x3FB8] =	sst s10  }
0x35: {  	s10 =	sld [smem:$0x3FB7];
	_ =	sdelay $0x3  }
0x36: {  	p1 =	seq.s32 s10, $0x1;
	s10 =	sld [smem:$0x3FB8];
	_ =	sdelay $0x3  }
0x37: {  	[smem:$0x3FB8] =	sst s10  }
0x38: {  	s10 =	sld [smem:$0x3FB9]  }
0x39: {  	_ = 	snop;
	(pc) =	sbr.ind lr, $3  }
0x3a: {  	_ = 	snop  }
0x3b: {  	_ = 	snop  }
0x3c: {  	p2 =	seq.s32 s10, $0x1;
	s10 =	sld [smem:$0x3FB8]  }
0x3d: {  	_ =	shalt  }
0x3e: {  	_ =	shalt  }
0x3f: {  	_ =	shalt  }
0x40: {  	_ =	shalt  }
0x41: {  	_ =	shalt  }
0x42: {  	_ =	shalt  }
0x43: {  	_ =	shalt  }
0x44: {  	_ =	shalt  }
0x45: {  	_ =	shalt  }
0x46: {  	_ =	shalt  }
0x47: {  	_ =	shalt  }
0x48: {  	_ =	shalt  }
0x49: {  	_ =	shalt  }
0x4a: {  	_ =	shalt  }
0x4b: {  	_ =	shalt  }
0x4c: {  	_ =	shalt  }
0x4d: {  	_ =	shalt  }
0x4e: {  	_ =	shalt  }
0x4f: {  	_ =	shalt  }
0x50: {  	_ =	shalt  }
0x51: {  	_ =	shalt  }
0x52: {  	_ =	shalt  }
0x53: {  	_ =	shalt  }
0x54: {  	_ =	shalt  }
0x55: {  	_ =	shalt  }
0x56: {  	_ =	shalt  }
0x57: {  	_ =	shalt  }
0x58: {  	_ =	shalt  }
0x59: {  	_ =	shalt  }
0x5a: {  	_ =	shalt  }
0x5b: {  	_ =	shalt  }
0x5c: {  	_ =	shalt  }
0x5d: {  	_ =	shalt  }
0x5e: {  	_ =	shalt  }
0x5f: {  	_ =	shalt  }
0x60: {  	_ =	shalt  }
0x61: {  	_ =	shalt  }
0x62: {  	_ =	shalt  }
0x63: {  	_ =	shalt  }
0x64: {  	_ =	shalt  }
0x65: {  	_ =	shalt  }
0x66: {  	_ =	shalt  }
0x67: {  	_ =	shalt  }
0x68: {  	_ =	shalt  }
0x69: {  	_ =	shalt  }
0x6a: {  	_ =	shalt  }
0x6b: {  	_ =	shalt  }
0x6c: {  	_ =	shalt  }
0x6d: {  	_ =	shalt  }
0x6e: {  	_ =	shalt  }
0x6f: {  	_ =	shalt  }
0x70: {  	_ =	shalt  }
0x71: {  	_ =	shalt  }
0x72: {  	_ =	shalt  }
0x73: {  	_ =	shalt  }
0x74: {  	_ =	shalt  }
0x75: {  	_ =	shalt  }
0x76: {  	_ =	shalt  }
0x77: {  	_ =	shalt  }
0x78: {  	_ =	shalt  }
0x79: {  	_ =	shalt  }
0x7a: {  	_ =	shalt  }
0x7b: {  	_ =	shalt  }
0x7c: {  	_ =	shalt  }
0x7d: {  	_ =	shalt  }
0x7e: {  	_ =	shalt  }
0x7f: {  	_ =	shalt  }
0x80: {  	_ =	shalt  }
0x81: {  	_ =	shalt  }
0x82: {  	_ =	shalt  }
0x83: {  	_ =	shalt  }
0x84: {  	_ =	shalt  }
0x85: {  	_ =	shalt  }
0x86: {  	_ =	shalt  }
0x87: {  	_ =	shalt  }
.Lfunc_end0:
.L_simem_size_0:
called_computation_lowered:
.L_overlay_start_0:
0x88: {  	s2 =	sld [smem:$0x3FD9]  }
0x89: {  	s3 =	sld [smem:$0x3FFE];
	_ =	sdelay $0x1  }
0x8a: {  	s1 =	srdreg.scid  }
0x8b: {  	s0 =	sand.u32 $0x1, s1  }
0x8c: {  	s14 =	sshll.u32 s0, $0xA;
	s2 =	sadd.s32 s3, s2  }
0x8d: {  	s2 =	sadd.s32 s2, s14  }
0x8e: {  	[smem:$0x3FC4] =	sst s2  }
0x8f: {  	_ = 	snop  }
0x90: {  	s2 =	sld [smem:$0x3FD0];
	_ =	sdelay $0x2  }
0x91: {  	s15 =	simm.s32 $0xA;
	s4 =	simm.s32 $0x10  }
0x92: {  	[smem:s4], [sflag:s15] =	dma.local [hbm:s2], $0x1  }
0x93: {  	_ =	swait.eq [sflag:s15], $0x1  }
0x94: {  	[sflag:s15] =	ssyncset.done $0x0  }
0x95: {  	s16 =	sld [smem:$0x10];
	[sflag:s15] =	ssyncadd.s32 $0xFFFFFFFF  }
0x96: {  	s17 =	sld [smem:$0x11];
	(tm) =	ssettm $0x1  }
0x97: {  	s18 =	sld [smem:$0x3FFB];
	_ =	sdelay $0x3  }
0x98: {  	_ =	strace s18  }
0x99: {  	s4 =	sld [smem:$0x3FFC];
	_ =	sdelay $0x3  }
0x9a: {  	_ =	strace s4  }
0x9b: {  	s4 =	sld [smem:$0x3FFD];
	_ =	sdelay $0x3  }
0x9c: {  	_ =	strace s4  }
0x9d: {  	_ =	strace $0x8FFFFFFF  }
0x9e: {  	s19 =	sld [smem:$0x3FDB];
	_ =	sdelay $0x1  }
0x9f: {  	s5 =	simm.s32 $_scs_section_size  }
0xa0: {  	s6 =	simm.s32 $_size__tile_overlayer_lowered;
	s7 =	simm.s32 $_tile_overlayer_lowered  }
0xa1: {  	s22 =	simm.s32 $0x1BFF;
	s21 =	sshll.u32 s7, $0x1;
	s4 =	sadd.s32 s5, s19  }
0xa2: {  	s8 =	simm.s32 $0x0;
	s20 =	sshll.u32 s6, $0x1;
	s6 =	sadd.s32 s21, s4  }
0xa3: {  	[timem:s8], [sflag:s22] =	dma.local [hbm:s6], s20  }
0xa4: {  	_ =	swait.ge [sflag:s22], s20  }
0xa5: {  	s5 =	ssub.s32 $0x0, s20;
	[sflag:s22] =	ssyncset.done $0x0  }
0xa6: {  	[sflag:s22] =	ssyncadd.s32 s5;
	_ =	sdelay $0x1  }
0xa7: {  	s23 =	simm.s32 $0x1B8B  }
0xa8: {  	_ =	swait.ge [sflag:s23], $0x1  }
0xa9: {  	[sflag:s23] =	ssyncset.done $0x0  }
0xaa: {  	s25 =	simm.s32 $0x1B8E;
	s24 =	sld [smem:$0x3FFE];
	[sflag:s23] =	ssyncadd.s32 $0xFFFFFFFF  }
0xab: {  	s26 =	simm.s32 $execute0_lowered;
	[smem:$0x3FD2] =	sst s25  }
0xac: {  	s6 =	sshll.u32 s26, $0x1;
	_ =	strace $0x80000046;
	[dreg:$0x1] =	wrdreg $0xFFFFFFFF  }
0xad: {  	s28 =	simm.s32 $_size_execute0_lowered;
	s4 =	sadd.s32 s4, s6;
	[dreg:$0x0] =	wrdreg $0x0  }
0xae: {  	s6 =	sshll.u32 s28, $0x1;
	[dreg:$0x2] =	wrdreg s4  }
0xaf: {  	[dreg:$0x3] =	wrdreg s6  }
0xb0: {  	[dreg:$0x4] =	wrdreg $0xC0  }
0xb1: {  	_ =	task [dreg:s8], $0x5FFFF  }
0xb2: {  	[dreg:$0x1] =	wrdreg $0xFFFFFFFF  }
0xb3: {  	[dreg:$0x0] =	wrdreg $0x60  }
0xb4: {  	[dreg:$0x2] =	wrdreg s17  }
0xb5: {  	[dreg:$0x3] =	wrdreg s24  }
0xb6: {  	[dreg:$0x4] =	wrdreg s16  }
0xb7: {  	[dreg:$0x5] =	wrdreg $0x9  }
0xb8: {  	_ =	task.clear_ibuf [dreg:s8], $0x6FFFF;
	_ =	strace $0x90000046  }
0xb9: {  	s29 =	simm.s32 $0x9;
	_ =	strace $0x80000048  }
0xba: {  	_ =	swait.ge [sflag:s29], $0x1  }
0xbb: {  	[sflag:s29] =	ssyncadd.s32 $0xFFFFFFFF  }
0xbc: {  	_ =	strace $0x90000048  }
0xbd: {  	_ =	sfence  }
0xbe: {  	s30 =	sld [smem:$0x0];
	_ =	sdelay $0x2  }
0xbf: {  	s31 =	sshll.u32 s1, $0xD;
	s1 =	sshrl.u32 s1, $0x2  }
0xc0: {  	s3 =	sand.u32 $0x4000, s31;
	s1 =	sadd.s32 s1, s30  }
0xc1: {  	s0 =	sor.u32 s3, s0;
	s1 =	sshll.u32 s1, $0x11  }
0xc2: {  	s0 =	sor.u32 s1, s0  }
0xc3: {  	s0 =	sadd.s32 $0x8F2B, s0  }
0xc4: {  	[sflag:s0] =	ssyncadd.remote.s32 $0x1  }
0xc5: {  	_ =	sfence.sel $0xFFFF  }
0xc6: {  	[dreg:$0x0] =	wrdreg $0xFFFFFFFF;
	(pc) =	sbr.abs _section_cstart, $3  }
0xc7: {  	[dreg:$0x1] =	wrdreg $0xFFFFFFFF  }
0xc8: {  	_ =	task.clear_ibuf [dreg:s8], $0x2FFFF;
	_ =	strace $0x9FFFFFFF  }
0xc9: {  	(tm) =	ssettm $0x7FFFFFFF  }
tec
execute0_lowered:
.L_overlay_start_1:
0x0: {  	(tag) =	ssettag $0x1  }
0x1: {  	s1 =	rddreg [dreg:$0x0]  }
0x2: {  	s2 =	rddreg [dreg:$0x1]  }
0x3: {  	s3 =	rddreg [dreg:$0x2]  }
0x4: {  	s0 =	rddreg [dreg:$0x3];
	s4 =	simm.s32 $0x0  }
0x5: {  	s5 =	srdreg.scid;
	s11 =	simm.s32 $0x18000;
	s12 =	simm.s32 $0x19000  }
0x6: {  	s13 =	simm.s32 $0x0;
	[smem:$0x7FF] =	sst s4;
	s6 =	sand.u32 $0x1, s5  }
0x7: {  	s5 =	stileid.u32;
	_ =	strace $0x80000047;
	s7 =	ssub.s32 $0x2, s6  }
0x8: {  	s9 =	sshll.u32 s5, $0x10;
	s10 =	sshll.u32 s6, $0xF;
	s8 =	sshrl.u32 s7, $0x1  }
0x9: {  	s6 =	sadd.s32 $0x1800, s2;
	s8 =	ssub.s32 s7, s8;
	s7 =	sor.u32 s10, s9  }
0xa: {  	v0 =	vlaneseq.u32;
	s9 =	simm.s32 $0x1;
	s10 =	simm.s32 $0xC000;
	s8 =	smax.u32 s8, $0x1  }
.LBB2_1:
0xb: {  	[tilespmem:s4], [sflag:$0x1] =	stream.linear.gather [hbm4b:s6+s4], $0xC000, $0x38;
	[tilespmem:$0x1A800] =	vst v63  }
0xc: {  	_ =	swait.ge [sflag:s9], $0xC000  }
0xd: {  	[sflag:s9] =	ssyncset.done $0x0  }
0xe: {  	[sflag:s9] =	ssyncadd.s32 $0xFFFF4000  }
0xf: {  	[tilespmem:s10], [sflag:$0x1] =	stream.linear.gather [hbm4b:s2+s4], $0xC000, $0x38;
	[tilespmem:$0x1A800] =	vst v63  }
0x10: {  	_ =	swait.ge [sflag:s9], $0xC000  }
0x11: {  	[sflag:s9] =	ssyncset.done $0x0  }
0x12: {  	s14 =	simm.s32 $0x0;
	[sflag:s9] =	ssyncadd.s32 $0xFFFF4000  }
.LBB2_2:
0x13: {  	s15 =	sshll.u32 s14, $0xB  }
0x14: {  	s15 =	sadd.s32 s7, s15  }
0x15: {  	s16 =	sshrl.u32 s15, $0x2  }
0x16: {  	s16 =	sadd.s32 s1, s16  }
0x17: {  	[tilespmem:s11], [sflag:$0x1] =	stream.linear.gather [hbm4b:s16+s4], $0x1000, $0x38;
	[tilespmem:$0x1A800] =	vst v63  }
0x18: {  	_ =	swait.ge [sflag:s9], $0x1000  }
0x19: {  	[sflag:s9] =	ssyncset.done $0x0  }
0x1a: {  	s16 =	simm.s32 $0x70;
	[sflag:s9] =	ssyncadd.s32 $0xFFFFF000  }
.LBB2_3:
0x1b: {  	s17 =	sadd.s32 $0xFFFFFF90, s16  }
0x1c: {  	v1 =	vor.u32 s17, v0  }
0x1d: {  	v2 =	vshll.u32 v1, $0x1;
	_ =	sdelay $0x1  }
0x1e: {  	v3 =	vor.u32 $0x1, v2;
	_ =	sdelay $0x2  }
0x1f: {  	v2 =	vld.idx.msk [tilespmem:v2+s11+$0x0], $0xffff;
	_ =	sdelay $0x1  }
0x20: {  	v3 =	vld.idx.msk [tilespmem:v3+s11+$0x0], $0xffff;
	_ =	sdelay $0x2  }
0x21: {  	v2 =	vmul.f32 $2.550000000e+02, v2;
	_ =	sdelay $0x1  }
0x22: {  	v3 =	vmul.f32 $1.910000000e+02, v3;
	v4 =	vtrunc.f32 v2  }
0x23: {  	v4 =	vcvt.f32.s32 v4  }
0x24: {  	v5 =	vtrunc.f32 v3  }
0x25: {  	v5 =	vcvt.f32.s32 v5;
	vm0 =	vlt.s32 v4, $0xFE  }
0x26: {  	v4 =	vnsel vm0, $0xFE, v4  }
0x27: {  	vm13 =	vlt.s32 v5, $0xBE;
	v6 =	vmul.u32 $0xC0, v4  }
0x28: {  	v5 =	vnsel vm13, $0xBE, v5  }
0x29: {  	v6 =	vadd.s32 v5, v6;
	_ =	sdelay $0x1  }
0x2a: {  	v7 =	vadd.s32 $0xC0, v6  }
0x2b: {  	v8 =	vadd.s32 $0x1, v6  }
0x2c: {  	v4 =	vcvt.s32.f32 v4;
	v5 =	vcvt.s32.f32 v5;
	v33 =	vadd.s32 $0xC1, v6  }
0x2d: {  	v9 =	vld.idx.msk [tilespmem:v6+s4+$0x0], $0xffff  }
0x2e: {  	s25 =	sadd.s32 $0xFFFFFFA0, s16;
	v2 =	vsub.f32 v2, v4;
	v3 =	vsub.f32 v3, v5;
	v6 =	vld.idx.msk [tilespmem:v6+s10+$0x0], $0xffff  }
0x2f: {  	v41 =	vor.u32 s25, v0;
	v32 =	vld.idx.msk [tilespmem:v7+s4+$0x0], $0xffff  }
0x30: {  	v1 =	vmul.u32 $0x3, v1;
	v10 =	vsub.f32 $1.000000000e+00, v2;
	v11 =	vsub.f32 $1.000000000e+00, v3;
	v12 =	vld.idx.msk [tilespmem:v8+s4+$0x0], $0xffff  }
0x31: {  	v42 =	vshll.u32 v41, $0x1;
	v16 =	vld.idx.msk [tilespmem:v33+s4+$0x0], $0xffff  }
0x32: {  	v39 =	vadd.s32 $0x1, v1;
	v13 =	vmul.f32 v11, v10;
	v11 =	vmul.f32 v11, v2;
	v7 =	vld.idx.msk [tilespmem:v7+s10+$0x0], $0xffff  }
0x33: {  	v10 =	vmul.f32 v3, v10;
	v2 =	vmul.f32 v3, v2;
	v14 =	vshll.u32 v9, $0x10  }
0x34: {  	v8 =	vld.idx.msk [tilespmem:v8+s10+$0x0], $0xffff;
	v9 =	vand.u32 $0xFFFF0000, v9;
	v6 =	vmul.f32 v13, v6;
	v15 =	vshll.u32 v32, $0x10  }
0x35: {  	v14 =	vmul.f32 v14, v13;
	v34 =	vshll.u32 v12, $0x10;
	v4 =	vand.u32 $0xFFFF0000, v32  }
0x36: {  	v9 =	vmul.f32 v9, v13;
	v35 =	vshll.u32 v16, $0x10;
	v15 =	vmul.f32 v15, v11  }
0x37: {  	v5 =	vld.idx.msk [tilespmem:v33+s10+$0x0], $0xffff;
	v12 =	vand.u32 $0xFFFF0000, v12;
	v7 =	vmul.f32 v7, v11;
	v4 =	vmul.f32 v4, v11  }
0x38: {  	v37 =	vand.u32 $0xFFFF0000, v16;
	v3 =	vadd.f32 v15, v14;
	v14 =	vmul.f32 v34, v10  }
0x39: {  	v38 =	vmul.f32 v8, v10;
	v36 =	vmul.f32 v12, v10;
	v4 =	vadd.f32 v4, v9  }
0x3a: {  	v6 =	vadd.f32 v7, v6;
	v3 =	vadd.f32 v3, v14;
	v14 =	vmul.f32 v35, v2  }
0x3b: {  	v40 =	vadd.s32 $0x2, v1;
	v9 =	vmul.f32 v37, v2;
	v4 =	vadd.f32 v4, v36  }
0x3c: {  	v6 =	vadd.f32 v6, v38;
	v2 =	vmul.f32 v5, v2;
	v3 =	vadd.f32 v3, v14  }
0x3d: {  	v4 =	vadd.f32 v4, v9  }
0x3e: {  	v2 =	vadd.f32 v6, v2;
	[tilespmem:v1+s12+$0x0] =	vst.idx.msk $0xffff, v3;
	v1 =	vor.u32 $0x1, v42  }
0x3f: {  	[tilespmem:v39+s12+$0x0] =	vst.idx.msk $0xffff, v4  }
0x40: {  	[tilespmem:v40+s12+$0x0] =	vst.idx.msk $0xffff, v2  }
0x41: {  	v2 =	vld.idx.msk [tilespmem:v42+s11+$0x0], $0xffff;
	_ =	sdelay $0x1  }
0x42: {  	v1 =	vld.idx.msk [tilespmem:v1+s11+$0x0], $0xffff;
	_ =	sdelay $0x2  }
0x43: {  	v2 =	vmul.f32 $2.550000000e+02, v2;
	_ =	sdelay $0x1  }
0x44: {  	v1 =	vmul.f32 $1.910000000e+02, v1;
	v3 =	vtrunc.f32 v2  }
0x45: {  	v3 =	vcvt.f32.s32 v3  }
0x46: {  	v43 =	vtrunc.f32 v1  }
0x47: {  	vm14 =	vlt.s32 v3, $0xFE;
	v4 =	vcvt.f32.s32 v43  }
0x48: {  	v3 =	vnsel vm14, $0xFE, v3  }
0x49: {  	vm15 =	vlt.s32 v4, $0xBE;
	v44 =	vmul.u32 $0xC0, v3  }
0x4a: {  	v4 =	vnsel vm15, $0xBE, v4  }
0x4b: {  	v5 =	vadd.s32 v4, v44;
	_ =	sdelay $0x1  }
0x4c: {  	v45 =	vadd.s32 $0xC0, v5  }
0x4d: {  	v46 =	vadd.s32 $0x1, v5  }
0x4e: {  	v3 =	vcvt.s32.f32 v3;
	v4 =	vcvt.s32.f32 v4;
	v47 =	vadd.s32 $0xC1, v5  }
0x4f: {  	v8 =	vld.idx.msk [tilespmem:v5+s4+$0x0], $0xffff  }
0x50: {  	s26 =	sadd.s32 $0xFFFFFFB0, s16;
	v2 =	vsub.f32 v2, v3;
	v1 =	vsub.f32 v1, v4;
	v5 =	vld.idx.msk [tilespmem:v5+s10+$0x0], $0xffff  }
0x51: {  	v63 =	vor.u32 s26, v0;
	v3 =	vld.idx.msk [tilespmem:v45+s4+$0x0], $0xffff  }
0x52: {  	v58 =	vmul.u32 $0x3, v41;
	v48 =	vsub.f32 $1.000000000e+00, v2;
	v49 =	vsub.f32 $1.000000000e+00, v1;
	v50 =	vld.idx.msk [tilespmem:v46+s4+$0x0], $0xffff  }
0x53: {  	v18 =	vshll.u32 v63, $0x1;
	v54 =	vld.idx.msk [tilespmem:v47+s4+$0x0], $0xffff  }
0x54: {  	v61 =	vadd.s32 $0x1, v58;
	v9 =	vmul.f32 v1, v48;
	v51 =	vmul.f32 v49, v48;
	v6 =	vld.idx.msk [tilespmem:v45+s10+$0x0], $0xffff  }
0x55: {  	v1 =	vmul.f32 v1, v2;
	v10 =	vmul.f32 v49, v2;
	v52 =	vshll.u32 v8, $0x10  }
0x56: {  	v7 =	vld.idx.msk [tilespmem:v46+s10+$0x0], $0xffff;
	v8 =	vand.u32 $0xFFFF0000, v8;
	v5 =	vmul.f32 v51, v5;
	v53 =	vshll.u32 v3, $0x10  }
0x57: {  	v14 =	vmul.f32 v52, v51;
	v55 =	vshll.u32 v50, $0x10;
	v3 =	vand.u32 $0xFFFF0000, v3  }
0x58: {  	v8 =	vmul.f32 v8, v51;
	v56 =	vshll.u32 v54, $0x10;
	v15 =	vmul.f32 v53, v10  }
0x59: {  	v4 =	vld.idx.msk [tilespmem:v47+s10+$0x0], $0xffff;
	v12 =	vand.u32 $0xFFFF0000, v50;
	v6 =	vmul.f32 v6, v10;
	v3 =	vmul.f32 v3, v10  }
0x5a: {  	v59 =	vand.u32 $0xFFFF0000, v54;
	v2 =	vadd.f32 v15, v14;
	v14 =	vmul.f32 v55, v9  }
0x5b: {  	v60 =	vmul.f32 v7, v9;
	v57 =	vmul.f32 v12, v9;
	v3 =	vadd.f32 v3, v8  }
0x5c: {  	v5 =	vadd.f32 v6, v5;
	v2 =	vadd.f32 v2, v14;
	v14 =	vmul.f32 v56, v1  }
0x5d: {  	v62 =	vadd.s32 $0x2, v58;
	v8 =	vmul.f32 v59, v1;
	v3 =	vadd.f32 v3, v57  }
0x5e: {  	v5 =	vadd.f32 v5, v60;
	v1 =	vmul.f32 v4, v1;
	v2 =	vadd.f32 v2, v14  }
0x5f: {  	v3 =	vadd.f32 v3, v8  }
0x60: {  	v1 =	vadd.f32 v5, v1;
	[tilespmem:v58+s12+$0x0] =	vst.idx.msk $0xffff, v2;
	v2 =	vor.u32 $0x1, v18  }
0x61: {  	[tilespmem:v61+s12+$0x0] =	vst.idx.msk $0xffff, v3  }
0x62: {  	[tilespmem:v62+s12+$0x0] =	vst.idx.msk $0xffff, v1  }
0x63: {  	v1 =	vld.idx.msk [tilespmem:v18+s11+$0x0], $0xffff;
	_ =	sdelay $0x1  }
0x64: {  	v2 =	vld.idx.msk [tilespmem:v2+s11+$0x0], $0xffff;
	_ =	sdelay $0x2  }
0x65: {  	v1 =	vmul.f32 $2.550000000e+02, v1;
	_ =	sdelay $0x1  }
0x66: {  	v2 =	vmul.f32 $1.910000000e+02, v2;
	v3 =	vtrunc.f32 v1  }
0x67: {  	v3 =	vcvt.f32.s32 v3  }
0x68: {  	v19 =	vtrunc.f32 v2  }
0x69: {  	vm4 =	vlt.s32 v3, $0xFE;
	v4 =	vcvt.f32.s32 v19  }
0x6a: {  	v3 =	vnsel vm4, $0xFE, v3  }
0x6b: {  	vm5 =	vlt.s32 v4, $0xBE;
	v20 =	vmul.u32 $0xC0, v3  }
0x6c: {  	v4 =	vnsel vm5, $0xBE, v4  }
0x6d: {  	v5 =	vadd.s32 v4, v20;
	_ =	sdelay $0x1  }
0x6e: {  	v21 =	vadd.s32 $0xC0, v5  }
0x6f: {  	v22 =	vadd.s32 $0x1, v5  }
0x70: {  	v3 =	vcvt.s32.f32 v3;
	v4 =	vcvt.s32.f32 v4;
	v24 =	vadd.s32 $0xC1, v5  }
0x71: {  	v23 =	vld.idx.msk [tilespmem:v5+s4+$0x0], $0xffff  }
0x72: {  	v1 =	vsub.f32 v1, v3;
	v2 =	vsub.f32 v2, v4;
	v5 =	vld.idx.msk [tilespmem:v5+s10+$0x0], $0xffff  }
0x73: {  	v35 =	vmul.u32 $0x3, v63;
	v3 =	vld.idx.msk [tilespmem:v21+s4+$0x0], $0xffff  }
0x74: {  	v25 =	vsub.f32 $1.000000000e+00, v1;
	v26 =	vsub.f32 $1.000000000e+00, v2;
	v27 =	vld.idx.msk [tilespmem:v22+s4+$0x0], $0xffff  }
0x75: {  	s28 =	sadd.s32 $0xFFFFFFC0, s16;
	v38 =	vadd.s32 $0x1, v35;
	v39 =	vadd.s32 $0x2, v35;
	v31 =	vld.idx.msk [tilespmem:v24+s4+$0x0], $0xffff  }
0x76: {  	v40 =	vor.u32 s28, v0;
	v9 =	vmul.f32 v2, v25;
	v28 =	vmul.f32 v26, v25;
	v6 =	vld.idx.msk [tilespmem:v21+s10+$0x0], $0xffff  }
0x77: {  	v10 =	vmul.f32 v26, v1;
	v1 =	vmul.f32 v2, v1;
	v29 =	vshll.u32 v23, $0x10  }
0x78: {  	v7 =	vld.idx.msk [tilespmem:v22+s10+$0x0], $0xffff;
	v8 =	vand.u32 $0xFFFF0000, v23;
	v5 =	vmul.f32 v28, v5;
	v30 =	vshll.u32 v3, $0x10  }
0x79: {  	v14 =	vmul.f32 v29, v28;
	v32 =	vshll.u32 v27, $0x10;
	v3 =	vand.u32 $0xFFFF0000, v3  }
0x7a: {  	v8 =	vmul.f32 v8, v28;
	v33 =	vshll.u32 v31, $0x10;
	v15 =	vmul.f32 v30, v10  }
0x7b: {  	v4 =	vld.idx.msk [tilespmem:v24+s10+$0x0], $0xffff;
	v12 =	vand.u32 $0xFFFF0000, v27;
	v6 =	vmul.f32 v6, v10;
	v3 =	vmul.f32 v3, v10  }
0x7c: {  	v36 =	vand.u32 $0xFFFF0000, v31;
	v2 =	vadd.f32 v15, v14;
	v14 =	vmul.f32 v32, v9  }
0x7d: {  	v37 =	vmul.f32 v7, v9;
	v34 =	vmul.f32 v12, v9;
	v3 =	vadd.f32 v3, v8  }
0x7e: {  	v5 =	vadd.f32 v6, v5;
	v2 =	vadd.f32 v2, v14;
	v14 =	vmul.f32 v33, v1  }
0x7f: {  	v41 =	vshll.u32 v40, $0x1;
	v8 =	vmul.f32 v36, v1;
	v3 =	vadd.f32 v3, v34  }
0x80: {  	v5 =	vadd.f32 v5, v37;
	v1 =	vmul.f32 v4, v1;
	v2 =	vadd.f32 v2, v14  }
0x81: {  	v3 =	vadd.f32 v3, v8  }
0x82: {  	v1 =	vadd.f32 v5, v1;
	[tilespmem:v35+s12+$0x0] =	vst.idx.msk $0xffff, v2;
	v2 =	vor.u32 $0x1, v41  }
0x83: {  	[tilespmem:v38+s12+$0x0] =	vst.idx.msk $0xffff, v3  }
0x84: {  	[tilespmem:v39+s12+$0x0] =	vst.idx.msk $0xffff, v1  }
0x85: {  	v1 =	vld.idx.msk [tilespmem:v41+s11+$0x0], $0xffff;
	_ =	sdelay $0x1  }
0x86: {  	v2 =	vld.idx.msk [tilespmem:v2+s11+$0x0], $0xffff;
	_ =	sdelay $0x2  }
0x87: {  	v1 =	vmul.f32 $2.550000000e+02, v1;
	_ =	sdelay $0x1  }
0x88: {  	v2 =	vmul.f32 $1.910000000e+02, v2;
	v3 =	vtrunc.f32 v1  }
0x89: {  	v3 =	vcvt.f32.s32 v3  }
0x8a: {  	v42 =	vtrunc.f32 v2  }
0x8b: {  	vm6 =	vlt.s32 v3, $0xFE;
	v4 =	vcvt.f32.s32 v42  }
0x8c: {  	v3 =	vnsel vm6, $0xFE, v3  }
0x8d: {  	vm7 =	vlt.s32 v4, $0xBE;
	v43 =	vmul.u32 $0xC0, v3  }
0x8e: {  	v4 =	vnsel vm7, $0xBE, v4  }
0x8f: {  	v5 =	vadd.s32 v4, v43;
	_ =	sdelay $0x1  }
0x90: {  	v44 =	vadd.s32 $0xC0, v5  }
0x91: {  	v45 =	vadd.s32 $0x1, v5  }
0x92: {  	v3 =	vcvt.s32.f32 v3;
	v4 =	vcvt.s32.f32 v4;
	v47 =	vadd.s32 $0xC1, v5  }
0x93: {  	v46 =	vld.idx.msk [tilespmem:v5+s4+$0x0], $0xffff  }
0x94: {  	v1 =	vsub.f32 v1, v3;
	v2 =	vsub.f32 v2, v4;
	v5 =	vld.idx.msk [tilespmem:v5+s10+$0x0], $0xffff  }
0x95: {  	v58 =	vmul.u32 $0x3, v40;
	v3 =	vld.idx.msk [tilespmem:v44+s4+$0x0], $0xffff  }
0x96: {  	s29 =	sadd.s32 $0xFFFFFFD0, s16;
	v48 =	vsub.f32 $1.000000000e+00, v1;
	v49 =	vsub.f32 $1.000000000e+00, v2;
	v50 =	vld.idx.msk [tilespmem:v45+s4+$0x0], $0xffff  }
0x97: {  	v63 =	vor.u32 s29, v0;
	v61 =	vadd.s32 $0x1, v58;
	v54 =	vld.idx.msk [tilespmem:v47+s4+$0x0], $0xffff  }
0x98: {  	v62 =	vadd.s32 $0x2, v58;
	v9 =	vmul.f32 v2, v48;
	v51 =	vmul.f32 v49, v48;
	v6 =	vld.idx.msk [tilespmem:v44+s10+$0x0], $0xffff  }
0x99: {  	v10 =	vmul.f32 v49, v1;
	v1 =	vmul.f32 v2, v1;
	v52 =	vshll.u32 v46, $0x10  }
0x9a: {  	v7 =	vld.idx.msk [tilespmem:v45+s10+$0x0], $0xffff;
	v8 =	vand.u32 $0xFFFF0000, v46;
	v5 =	vmul.f32 v51, v5;
	v53 =	vshll.u32 v3, $0x10  }
0x9b: {  	v14 =	vmul.f32 v52, v51;
	v55 =	vshll.u32 v50, $0x10;
	v3 =	vand.u32 $0xFFFF0000, v3  }
0x9c: {  	v8 =	vmul.f32 v8, v51;
	v56 =	vshll.u32 v54, $0x10;
	v15 =	vmul.f32 v53, v10  }
0x9d: {  	v4 =	vld.idx.msk [tilespmem:v47+s10+$0x0], $0xffff;
	v12 =	vand.u32 $0xFFFF0000, v50;
	v6 =	vmul.f32 v6, v10;
	v3 =	vmul.f32 v3, v10  }
0x9e: {  	v59 =	vand.u32 $0xFFFF0000, v54;
	v2 =	vadd.f32 v15, v14;
	v14 =	vmul.f32 v55, v9  }
0x9f: {  	v60 =	vmul.f32 v7, v9;
	v57 =	vmul.f32 v12, v9;
	v3 =	vadd.f32 v3, v8  }
0xa0: {  	v5 =	vadd.f32 v6, v5;
	v2 =	vadd.f32 v2, v14;
	v14 =	vmul.f32 v56, v1  }
0xa1: {  	v18 =	vshll.u32 v63, $0x1;
	v8 =	vmul.f32 v59, v1;
	v3 =	vadd.f32 v3, v57  }
0xa2: {  	v5 =	vadd.f32 v5, v60;
	v1 =	vmul.f32 v4, v1;
	v2 =	vadd.f32 v2, v14  }
0xa3: {  	v3 =	vadd.f32 v3, v8  }
0xa4: {  	v1 =	vadd.f32 v5, v1;
	[tilespmem:v58+s12+$0x0] =	vst.idx.msk $0xffff, v2;
	v2 =	vor.u32 $0x1, v18  }
0xa5: {  	[tilespmem:v61+s12+$0x0] =	vst.idx.msk $0xffff, v3  }
0xa6: {  	[tilespmem:v62+s12+$0x0] =	vst.idx.msk $0xffff, v1  }
0xa7: {  	v1 =	vld.idx.msk [tilespmem:v18+s11+$0x0], $0xffff;
	_ =	sdelay $0x1  }
0xa8: {  	v2 =	vld.idx.msk [tilespmem:v2+s11+$0x0], $0xffff;
	_ =	sdelay $0x2  }
0xa9: {  	v1 =	vmul.f32 $2.550000000e+02, v1;
	_ =	sdelay $0x1  }
0xaa: {  	v2 =	vmul.f32 $1.910000000e+02, v2;
	v3 =	vtrunc.f32 v1  }
0xab: {  	v3 =	vcvt.f32.s32 v3  }
0xac: {  	v19 =	vtrunc.f32 v2  }
0xad: {  	vm8 =	vlt.s32 v3, $0xFE;
	v4 =	vcvt.f32.s32 v19  }
0xae: {  	v3 =	vnsel vm8, $0xFE, v3  }
0xaf: {  	vm9 =	vlt.s32 v4, $0xBE;
	v20 =	vmul.u32 $0xC0, v3  }
0xb0: {  	v4 =	vnsel vm9, $0xBE, v4  }
0xb1: {  	v5 =	vadd.s32 v4, v20;
	_ =	sdelay $0x1  }
0xb2: {  	v21 =	vadd.s32 $0xC0, v5  }
0xb3: {  	v22 =	vadd.s32 $0x1, v5  }
0xb4: {  	v3 =	vcvt.s32.f32 v3;
	v4 =	vcvt.s32.f32 v4;
	v24 =	vadd.s32 $0xC1, v5  }
0xb5: {  	v23 =	vld.idx.msk [tilespmem:v5+s4+$0x0], $0xffff  }
0xb6: {  	v1 =	vsub.f32 v1, v3;
	v2 =	vsub.f32 v2, v4;
	v5 =	vld.idx.msk [tilespmem:v5+s10+$0x0], $0xffff  }
0xb7: {  	v35 =	vmul.u32 $0x3, v63;
	v3 =	vld.idx.msk [tilespmem:v21+s4+$0x0], $0xffff  }
0xb8: {  	s30 =	sadd.s32 $0xFFFFFFE0, s16;
	v25 =	vsub.f32 $1.000000000e+00, v1;
	v26 =	vsub.f32 $1.000000000e+00, v2;
	v27 =	vld.idx.msk [tilespmem:v22+s4+$0x0], $0xffff  }
0xb9: {  	v40 =	vor.u32 s30, v0;
	v38 =	vadd.s32 $0x1, v35;
	v31 =	vld.idx.msk [tilespmem:v24+s4+$0x0], $0xffff  }
0xba: {  	v39 =	vadd.s32 $0x2, v35;
	v9 =	vmul.f32 v2, v25;
	v28 =	vmul.f32 v26, v25;
	v6 =	vld.idx.msk [tilespmem:v21+s10+$0x0], $0xffff  }
0xbb: {  	v10 =	vmul.f32 v26, v1;
	v1 =	vmul.f32 v2, v1;
	v29 =	vshll.u32 v23, $0x10  }
0xbc: {  	v7 =	vld.idx.msk [tilespmem:v22+s10+$0x0], $0xffff;
	v8 =	vand.u32 $0xFFFF0000, v23;
	v5 =	vmul.f32 v28, v5;
	v30 =	vshll.u32 v3, $0x10  }
0xbd: {  	v14 =	vmul.f32 v29, v28;
	v32 =	vshll.u32 v27, $0x10;
	v3 =	vand.u32 $0xFFFF0000, v3  }
0xbe: {  	v8 =	vmul.f32 v8, v28;
	v33 =	vshll.u32 v31, $0x10;
	v15 =	vmul.f32 v30, v10  }
0xbf: {  	v4 =	vld.idx.msk [tilespmem:v24+s10+$0x0], $0xffff;
	v12 =	vand.u32 $0xFFFF0000, v27;
	v6 =	vmul.f32 v6, v10;
	v3 =	vmul.f32 v3, v10  }
0xc0: {  	v36 =	vand.u32 $0xFFFF0000, v31;
	v2 =	vadd.f32 v15, v14;
	v14 =	vmul.f32 v32, v9  }
0xc1: {  	v37 =	vmul.f32 v7, v9;
	v34 =	vmul.f32 v12, v9;
	v3 =	vadd.f32 v3, v8  }
0xc2: {  	v5 =	vadd.f32 v6, v5;
	v2 =	vadd.f32 v2, v14;
	v14 =	vmul.f32 v33, v1  }
0xc3: {  	v41 =	vshll.u32 v40, $0x1;
	v8 =	vmul.f32 v36, v1;
	v3 =	vadd.f32 v3, v34  }
0xc4: {  	v5 =	vadd.f32 v5, v37;
	v1 =	vmul.f32 v4, v1;
	v2 =	vadd.f32 v2, v14  }
0xc5: {  	v3 =	vadd.f32 v3, v8  }
0xc6: {  	v1 =	vadd.f32 v5, v1;
	[tilespmem:v35+s12+$0x0] =	vst.idx.msk $0xffff, v2;
	v2 =	vor.u32 $0x1, v41  }
0xc7: {  	[tilespmem:v38+s12+$0x0] =	vst.idx.msk $0xffff, v3  }
0xc8: {  	[tilespmem:v39+s12+$0x0] =	vst.idx.msk $0xffff, v1  }
0xc9: {  	v1 =	vld.idx.msk [tilespmem:v41+s11+$0x0], $0xffff;
	_ =	sdelay $0x1  }
0xca: {  	v2 =	vld.idx.msk [tilespmem:v2+s11+$0x0], $0xffff;
	_ =	sdelay $0x2  }
0xcb: {  	v1 =	vmul.f32 $2.550000000e+02, v1;
	_ =	sdelay $0x1  }
0xcc: {  	v2 =	vmul.f32 $1.910000000e+02, v2;
	v3 =	vtrunc.f32 v1  }
0xcd: {  	v3 =	vcvt.f32.s32 v3  }
0xce: {  	v42 =	vtrunc.f32 v2  }
0xcf: {  	vm10 =	vlt.s32 v3, $0xFE;
	v4 =	vcvt.f32.s32 v42  }
0xd0: {  	v3 =	vnsel vm10, $0xFE, v3  }
0xd1: {  	vm11 =	vlt.s32 v4, $0xBE;
	v43 =	vmul.u32 $0xC0, v3  }
0xd2: {  	v4 =	vnsel vm11, $0xBE, v4  }
0xd3: {  	v5 =	vadd.s32 v4, v43;
	_ =	sdelay $0x1  }
0xd4: {  	v44 =	vadd.s32 $0xC0, v5  }
0xd5: {  	v45 =	vadd.s32 $0x1, v5  }
0xd6: {  	v3 =	vcvt.s32.f32 v3;
	v4 =	vcvt.s32.f32 v4;
	v47 =	vadd.s32 $0xC1, v5  }
0xd7: {  	v46 =	vld.idx.msk [tilespmem:v5+s4+$0x0], $0xffff  }
0xd8: {  	v1 =	vsub.f32 v1, v3;
	v2 =	vsub.f32 v2, v4;
	v5 =	vld.idx.msk [tilespmem:v5+s10+$0x0], $0xffff  }
0xd9: {  	v58 =	vmul.u32 $0x3, v40;
	v3 =	vld.idx.msk [tilespmem:v44+s4+$0x0], $0xffff  }
0xda: {  	s31 =	sadd.s32 $0xFFFFFFF0, s16;
	v48 =	vsub.f32 $1.000000000e+00, v1;
	v49 =	vsub.f32 $1.000000000e+00, v2;
	v50 =	vld.idx.msk [tilespmem:v45+s4+$0x0], $0xffff  }
0xdb: {  	v63 =	vor.u32 s31, v0;
	v61 =	vadd.s32 $0x1, v58;
	v54 =	vld.idx.msk [tilespmem:v47+s4+$0x0], $0xffff  }
0xdc: {  	v62 =	vadd.s32 $0x2, v58;
	v9 =	vmul.f32 v2, v48;
	v51 =	vmul.f32 v49, v48;
	v6 =	vld.idx.msk [tilespmem:v44+s10+$0x0], $0xffff  }
0xdd: {  	v10 =	vmul.f32 v49, v1;
	v1 =	vmul.f32 v2, v1;
	v52 =	vshll.u32 v46, $0x10  }
0xde: {  	v7 =	vld.idx.msk [tilespmem:v45+s10+$0x0], $0xffff;
	v8 =	vand.u32 $0xFFFF0000, v46;
	v5 =	vmul.f32 v51, v5;
	v53 =	vshll.u32 v3, $0x10  }
0xdf: {  	v14 =	vmul.f32 v52, v51;
	v55 =	vshll.u32 v50, $0x10;
	v3 =	vand.u32 $0xFFFF0000, v3  }
0xe0: {  	v8 =	vmul.f32 v8, v51;
	v56 =	vshll.u32 v54, $0x10;
	v15 =	vmul.f32 v53, v10  }
0xe1: {  	v4 =	vld.idx.msk [tilespmem:v47+s10+$0x0], $0xffff;
	v12 =	vand.u32 $0xFFFF0000, v50;
	v6 =	vmul.f32 v6, v10;
	v3 =	vmul.f32 v3, v10  }
0xe2: {  	v59 =	vand.u32 $0xFFFF0000, v54;
	v2 =	vadd.f32 v15, v14;
	v14 =	vmul.f32 v55, v9  }
0xe3: {  	v60 =	vmul.f32 v7, v9;
	v57 =	vmul.f32 v12, v9;
	v3 =	vadd.f32 v3, v8  }
0xe4: {  	v5 =	vadd.f32 v6, v5;
	v2 =	vadd.f32 v2, v14;
	v14 =	vmul.f32 v56, v1  }
0xe5: {  	v20 =	vshll.u32 v63, $0x1;
	v8 =	vmul.f32 v59, v1;
	v3 =	vadd.f32 v3, v57  }
0xe6: {  	v5 =	vadd.f32 v5, v60;
	v1 =	vmul.f32 v4, v1;
	v2 =	vadd.f32 v2, v14  }
0xe7: {  	v3 =	vadd.f32 v3, v8  }
0xe8: {  	v1 =	vadd.f32 v5, v1;
	[tilespmem:v58+s12+$0x0] =	vst.idx.msk $0xffff, v2;
	v2 =	vor.u32 $0x1, v20  }
0xe9: {  	[tilespmem:v61+s12+$0x0] =	vst.idx.msk $0xffff, v3  }
0xea: {  	[tilespmem:v62+s12+$0x0] =	vst.idx.msk $0xffff, v1  }
0xeb: {  	v1 =	vld.idx.msk [tilespmem:v20+s11+$0x0], $0xffff;
	_ =	sdelay $0x1  }
0xec: {  	v2 =	vld.idx.msk [tilespmem:v2+s11+$0x0], $0xffff;
	_ =	sdelay $0x2  }
0xed: {  	v1 =	vmul.f32 $2.550000000e+02, v1;
	_ =	sdelay $0x1  }
0xee: {  	v2 =	vmul.f32 $1.910000000e+02, v2;
	v3 =	vtrunc.f32 v1  }
0xef: {  	v3 =	vcvt.f32.s32 v3  }
0xf0: {  	v21 =	vtrunc.f32 v2  }
0xf1: {  	vm12 =	vlt.s32 v3, $0xFE;
	v4 =	vcvt.f32.s32 v21  }
0xf2: {  	v3 =	vnsel vm12, $0xFE, v3  }
0xf3: {  	vm13 =	vlt.s32 v4, $0xBE;
	v22 =	vmul.u32 $0xC0, v3  }
0xf4: {  	v4 =	vnsel vm13, $0xBE, v4  }
0xf5: {  	v5 =	vadd.s32 v4, v22;
	_ =	sdelay $0x1  }
0xf6: {  	v23 =	vadd.s32 $0xC0, v5  }
0xf7: {  	v24 =	vadd.s32 $0x1, v5  }
0xf8: {  	v3 =	vcvt.s32.f32 v3;
	v4 =	vcvt.s32.f32 v4;
	v26 =	vadd.s32 $0xC1, v5  }
0xf9: {  	v25 =	vld.idx.msk [tilespmem:v5+s4+$0x0], $0xffff  }
0xfa: {  	v1 =	vsub.f32 v1, v3;
	v2 =	vsub.f32 v2, v4;
	v5 =	vld.idx.msk [tilespmem:v5+s10+$0x0], $0xffff  }
0xfb: {  	v37 =	vmul.u32 $0x3, v63;
	v3 =	vld.idx.msk [tilespmem:v23+s4+$0x0], $0xffff  }
0xfc: {  	v27 =	vsub.f32 $1.000000000e+00, v1;
	v28 =	vsub.f32 $1.000000000e+00, v2;
	v29 =	vld.idx.msk [tilespmem:v24+s4+$0x0], $0xffff  }
0xfd: {  	v40 =	vadd.s32 $0x1, v37;
	v41 =	vadd.s32 $0x2, v37;
	v33 =	vld.idx.msk [tilespmem:v26+s4+$0x0], $0xffff  }
0xfe: {  	v42 =	vor.u32 s16, v0;
	v9 =	vmul.f32 v2, v27;
	v30 =	vmul.f32 v28, v27;
	v6 =	vld.idx.msk [tilespmem:v23+s10+$0x0], $0xffff  }
0xff: {  	v10 =	vmul.f32 v28, v1;
	v1 =	vmul.f32 v2, v1;
	v31 =	vshll.u32 v25, $0x10  }
0x100: {  	v7 =	vld.idx.msk [tilespmem:v24+s10+$0x0], $0xffff;
	v8 =	vand.u32 $0xFFFF0000, v25;
	v5 =	vmul.f32 v30, v5;
	v32 =	vshll.u32 v3, $0x10  }
0x101: {  	v14 =	vmul.f32 v31, v30;
	v34 =	vshll.u32 v29, $0x10;
	v3 =	vand.u32 $0xFFFF0000, v3  }
0x102: {  	v8 =	vmul.f32 v8, v30;
	v35 =	vshll.u32 v33, $0x10;
	v15 =	vmul.f32 v32, v10  }
0x103: {  	v4 =	vld.idx.msk [tilespmem:v26+s10+$0x0], $0xffff;
	v12 =	vand.u32 $0xFFFF0000, v29;
	v6 =	vmul.f32 v6, v10;
	v3 =	vmul.f32 v3, v10  }
0x104: {  	v38 =	vand.u32 $0xFFFF0000, v33;
	v2 =	vadd.f32 v15, v14;
	v14 =	vmul.f32 v34, v9  }
0x105: {  	v39 =	vmul.f32 v7, v9;
	v36 =	vmul.f32 v12, v9;
	v3 =	vadd.f32 v3, v8  }
0x106: {  	v5 =	vadd.f32 v6, v5;
	v2 =	vadd.f32 v2, v14;
	v14 =	vmul.f32 v35, v1  }
0x107: {  	v43 =	vshll.u32 v42, $0x1;
	v8 =	vmul.f32 v38, v1;
	v3 =	vadd.f32 v3, v36  }
0x108: {  	v5 =	vadd.f32 v5, v39;
	v1 =	vmul.f32 v4, v1;
	v2 =	vadd.f32 v2, v14  }
0x109: {  	v3 =	vadd.f32 v3, v8  }
0x10a: {  	v1 =	vadd.f32 v5, v1;
	[tilespmem:v37+s12+$0x0] =	vst.idx.msk $0xffff, v2;
	v2 =	vor.u32 $0x1, v43  }
0x10b: {  	[tilespmem:v40+s12+$0x0] =	vst.idx.msk $0xffff, v3  }
0x10c: {  	[tilespmem:v41+s12+$0x0] =	vst.idx.msk $0xffff, v1  }
0x10d: {  	v1 =	vld.idx.msk [tilespmem:v43+s11+$0x0], $0xffff;
	_ =	sdelay $0x1  }
0x10e: {  	v2 =	vld.idx.msk [tilespmem:v2+s11+$0x0], $0xffff;
	_ =	sdelay $0x2  }
0x10f: {  	v1 =	vmul.f32 $2.550000000e+02, v1;
	_ =	sdelay $0x1  }
0x110: {  	v2 =	vmul.f32 $1.910000000e+02, v2;
	v3 =	vtrunc.f32 v1  }
0x111: {  	v3 =	vcvt.f32.s32 v3  }
0x112: {  	v44 =	vtrunc.f32 v2  }
0x113: {  	vm14 =	vlt.s32 v3, $0xFE;
	v4 =	vcvt.f32.s32 v44  }
0x114: {  	v3 =	vnsel vm14, $0xFE, v3  }
0x115: {  	vm15 =	vlt.s32 v4, $0xBE;
	v45 =	vmul.u32 $0xC0, v3  }
0x116: {  	v4 =	vnsel vm15, $0xBE, v4  }
0x117: {  	v5 =	vadd.s32 v4, v45;
	_ =	sdelay $0x1  }
0x118: {  	v3 =	vcvt.s32.f32 v3;
	v46 =	vadd.s32 $0xC0, v5  }
0x119: {  	v47 =	vadd.s32 $0x1, v5  }
0x11a: {  	v1 =	vsub.f32 v1, v3;
	v3 =	vadd.s32 $0xC1, v5  }
0x11b: {  	v4 =	vcvt.s32.f32 v4;
	v48 =	vld.idx.msk [tilespmem:v5+s4+$0x0], $0xffff  }
0x11c: {  	v5 =	vld.idx.msk [tilespmem:v5+s10+$0x0], $0xffff  }
0x11d: {  	v2 =	vsub.f32 v2, v4;
	v49 =	vld.idx.msk [tilespmem:v46+s4+$0x0], $0xffff  }
0x11e: {  	v9 =	vld.idx.msk [tilespmem:v47+s4+$0x0], $0xffff  }
0x11f: {  	v11 =	vmul.u32 $0x3, v42;
	v50 =	vsub.f32 $1.000000000e+00, v1;
	v51 =	vsub.f32 $1.000000000e+00, v2;
	v53 =	vld.idx.msk [tilespmem:v3+s4+$0x0], $0xffff;
	_ =	sdelay $0x1  }
0x120: {  	v61 =	vadd.s32 $0x1, v11;
	v10 =	vmul.f32 v2, v50;
	v52 =	vmul.f32 v51, v50;
	v6 =	vld.idx.msk [tilespmem:v46+s10+$0x0], $0xffff  }
0x121: {  	v12 =	vmul.f32 v51, v1;
	v1 =	vmul.f32 v2, v1;
	v54 =	vshll.u32 v48, $0x10  }
0x122: {  	v2 =	vld.idx.msk [tilespmem:v47+s10+$0x0], $0xffff;
	v8 =	vand.u32 $0xFFFF0000, v48;
	v5 =	vmul.f32 v52, v5;
	v55 =	vshll.u32 v49, $0x10  }
0x123: {  	v15 =	vmul.f32 v54, v52;
	v17 =	vshll.u32 v9, $0x10;
	v58 =	vshll.u32 v53, $0x10  }
0x124: {  	v4 =	vand.u32 $0xFFFF0000, v49;
	v8 =	vmul.f32 v8, v52;
	v16 =	vmul.f32 v55, v12  }
0x125: {  	v3 =	vld.idx.msk [tilespmem:v3+s10+$0x0], $0xffff;
	v9 =	vand.u32 $0xFFFF0000, v9;
	v6 =	vmul.f32 v6, v12;
	v4 =	vmul.f32 v4, v12  }
0x126: {  	v60 =	vand.u32 $0xFFFF0000, v53;
	v56 =	vmul.f32 v17, v10;
	v15 =	vadd.f32 v16, v15  }
0x127: {  	v2 =	vmul.f32 v2, v10;
	v59 =	vmul.f32 v9, v10;
	v4 =	vadd.f32 v4, v8  }
0x128: {  	v5 =	vadd.f32 v6, v5;
	v57 =	vadd.f32 v15, v56;
	v15 =	vmul.f32 v58, v1  }
0x129: {  	p0 =	sne.s32 s16, $0x7F0;
	v63 =	vadd.s32 $0x2, v11;
	v62 =	vmul.f32 v60, v1;
	v4 =	vadd.f32 v4, v59  }
.Ltmp0:
0x12a: {  	v2 =	vadd.f32 v5, v2;
	v1 =	vmul.f32 v3, v1;
	v7 =	vadd.f32 v57, v15;
	(pc) =	sbr.rel @p0 .LBB2_3-.Ltmp0, $4  }
0x12b: {  	v3 =	vadd.f32 v4, v62  }
0x12c: {  	v1 =	vadd.f32 v2, v1;
	[tilespmem:v11+s12+$0x0] =	vst.idx.msk $0xffff, v7  }
0x12d: {  	[tilespmem:v61+s12+$0x0] =	vst.idx.msk $0xffff, v3  }
0x12e: {  	s16 =	sadd.s32 $0x80, s16;
	[tilespmem:v63+s12+$0x0] =	vst.idx.msk $0xffff, v1  }
0x12f: {  	s15 =	smul.u32 $0x3, s15  }
0x130: {  	s14 =	sadd.s32 $0x1, s14  }
0x131: {  	p0 =	sne.s32 s14, $0x10;
	s15 =	sshrl.u32 s15, $0x3  }
.Ltmp1:
0x132: {  	s15 =	sadd.s32 s3, s15;
	(pc) =	sbr.rel @p0 .LBB2_2-.Ltmp1, $4  }
0x133: {  	[hbm4b:s15+s4] =	stream.linear.scatter [tilespmem:s12], [sflag:$0x1], $0x1800, $0x38;
	[tilespmem:$0x1A800] =	vst v63  }
0x134: {  	_ =	swait.ge [sflag:s9], $0x1800  }
0x135: {  	[sflag:s9] =	ssyncset.done $0x0  }
0x136: {  	[sflag:s9] =	ssyncadd.s32 $0xFFFFE800  }
0x137: {  	s13 =	sadd.s32 $0x1, s13  }
0x138: {  	p0 =	sne.s32 s13, s8  }
.Ltmp2:
0x139: {  	_ = 	snop;
	(pc) =	sbr.rel @p0 .LBB2_1-.Ltmp2, $1  }
0x13a: {  	_ =	sdelay $0x3  }
0x13b: {  	_ =	sfence.sel $0x180000  }
0x13c: {  	[bflag:$0x0] =	sbarrier.arrive $0xFFFF  }
0x13d: {  	p0 =	sne.s32 s5, $0x0;
	_ =	strace $0x90000047  }
0x13e: {  	s0 =	sadd.s32 @!p0 $0x100000, s0;
	[bflag:$0x2] =	sbarrier.arrive $0xFFFF  }
0x13f: {  	[sflag:s0] =	ssyncadd.tile.s32 @!p0 $0x1;
	_ =	shalt  }
.Lfunc_end2:
_tile_overlayer_lowered:
.L_overlay_start_2:
0x140: {  	(tag) =	ssettag $0x2  }
0x141: {  	s0 =	rddreg [dreg:$0x0];
	s2 =	stileid.u32  }
0x142: {  	s1 =	rddreg [dreg:$0x1];
	p0 =	sne.s32 s2, $0x0  }
0x143: {  	s3 =	rddreg [dreg:$0x2];
	[bflag:$0x3] =	sbarrier.arrive $0xFFFF;
	s2 =	simm.s32 @!p0 $0x1C01  }
0x144: {  	[timem:s3], [sflag:s2] =	dma.local @!p0 [hbm:s0], s1  }
0x145: {  	s0 =	simm.s32 @!p0 $0x1  }
0x146: {  	_ =	swait.ge @!p0 [sflag:s0], s1  }
0x147: {  	s1 =	ssub.s32 @!p0 $0x0, s1;
	[sflag:s0] =	ssyncset.done @!p0 $0x0  }
0x148: {  	[sflag:s0] =	ssyncadd.s32 @!p0 s1  }
0x149: {  	[bflag:$0x3] =	sbarrier.arrive $0xFFFF  }
0x14a: {  	_ =	shalt  }

</sc_bundles>
